<compile_context>
chip_gen: v7x
topology: tpu7x:2x2x1
jax: 0.10.2.dev20260603
libtpu: 0.0.44.dev20260713+nightly
codegen_flags: <defaults>
</compile_context>

<pallas_src>
import functools

import jax
import jax.numpy as jnp
from jax import lax
from jax.experimental import pallas as pl
from jax.experimental.pallas import tpu as pltpu
from jax.experimental.pallas import tpu_sc as plsc

N = 10000
E = 320000
D = 128

NC = 2
NS = 16
NW = NC * NS
E_PW = E // NW
K = 80
NCHUNK = E_PW // K
NWIN = 5
CPW = NCHUNK // NWIN
STRIPE = 640
LAST_STRIPE = N - 15 * STRIPE

BN = 1000
GRID = N // BN



def _pre_body(x_ref, wm_ref, bm_ref, wa_ref, ba_ref, m_ref, sd_ref):
    xb = x_ref[...]
    wm = wm_ref[...]
    m_ref[...] = lax.dot_general(
        xb, wm, (((1,), (1,)), ((), ())),
        preferred_element_type=jnp.float32) + bm_ref[...]
    a_sd = wa_ref[...].reshape(2, D)
    sd = lax.dot_general(
        xb, a_sd, (((1,), (1,)), ((), ())),
        preferred_element_type=jnp.float32)
    is_s = (lax.broadcasted_iota(jnp.int32, (1, 2), 1) == 0).astype(jnp.float32)
    sd_ref[...] = sd + ba_ref[0, 0] * is_s


def _precompute(x, W_msg, b_msg, W_att, b_att):
    return pl.pallas_call(
        _pre_body,
        grid=(GRID,),
        in_specs=[
            pl.BlockSpec((BN, D), lambda i: (i, 0)),
            pl.BlockSpec((D, D), lambda i: (0, 0)),
            pl.BlockSpec((1, D), lambda i: (0, 0)),
            pl.BlockSpec((1, 2 * D), lambda i: (0, 0)),
            pl.BlockSpec((1, 1), lambda i: (0, 0)),
        ],
        out_specs=[
            pl.BlockSpec((BN, D), lambda i: (i, 0)),
            pl.BlockSpec((BN, 2), lambda i: (i, 0)),
        ],
        out_shape=[
            jax.ShapeDtypeStruct((N, D), jnp.float32),
            jax.ShapeDtypeStruct((N, 2), jnp.float32),
        ],
    )(x, W_msg, b_msg.reshape(1, D), W_att, b_att.reshape(1, 1))



def _sc_body(m_hbm, s_hbm, d_hbm, src_hbm, dst_hbm, out_hbm,
             acc_sh, s_v, d_v, srcv, dstv, rows, sem):
    cid = lax.axis_index("c")
    sid = lax.axis_index("s")
    wid = cid * NS + sid

    def zero_row(i, _):
        for j in range(D // 16):
            rows[i, pl.ds(j * 16, 16)] = jnp.zeros((16,), jnp.float32)
        return _
    lax.fori_loop(0, K, zero_row, None)
    nzero = jnp.where(sid == NS - 1, LAST_STRIPE // K, STRIPE // K)

    def zero_stripe(t, _):
        pltpu.sync_copy(rows, acc_sh.at[pl.ds(sid * STRIPE + t * K, K)])
        return _
    lax.fori_loop(0, nzero, zero_stripe, None)

    pltpu.sync_copy(s_hbm, s_v)
    pltpu.sync_copy(d_hbm, d_v)

    plsc.subcore_barrier()

    def window(w, _):
        pltpu.sync_copy(src_hbm.at[wid, w], srcv)
        pltpu.sync_copy(dst_hbm.at[wid, w], dstv)

        def chunk(c, _):
            pltpu.async_copy(m_hbm.at[srcv.at[c]], rows, sem).wait()

            def group(g, _):
                sg = srcv[c, pl.ds(g * 16, 16)]
                dg = dstv[c, pl.ds(g * 16, 16)]
                sv = plsc.load_gather(s_v, [sg])
                dv = plsc.load_gather(d_v, [dg])
                att = 1.0 / (1.0 + jnp.exp(-(sv + dv)))
                for e in range(16):
                    a16 = jnp.full((16,), att[e], jnp.float32)
                    r = g * 16 + e
                    for j in range(D // 16):
                        rows[r, pl.ds(j * 16, 16)] = (
                            rows[r, pl.ds(j * 16, 16)] * a16)
                return _
            lax.fori_loop(0, K // 16, group, None)

            pltpu.sync_copy(rows, acc_sh.at[dstv.at[c]], add=True)
            return _
        lax.fori_loop(0, CPW, chunk, None)
        return _
    lax.fori_loop(0, NWIN, window, None)

    plsc.subcore_barrier()

    @pl.when(sid < NS - 1)
    def _copy_main():
        pltpu.sync_copy(acc_sh.at[pl.ds(sid * STRIPE, STRIPE)],
                        out_hbm.at[cid, pl.ds(sid * STRIPE, STRIPE)])

    @pl.when(sid == NS - 1)
    def _copy_last():
        pltpu.sync_copy(acc_sh.at[pl.ds(sid * STRIPE, LAST_STRIPE)],
                        out_hbm.at[cid, pl.ds(sid * STRIPE, LAST_STRIPE)])


def _sc_aggregate(M, s, d, src3, dst3):
    mesh = plsc.VectorSubcoreMesh(core_axis_name="c", subcore_axis_name="s")
    k = pl.kernel(
        _sc_body,
        out_type=jax.ShapeDtypeStruct((NC, N, D), jnp.float32),
        mesh=mesh,
        compiler_params=pltpu.CompilerParams(needs_layout_passes=False),
        scratch_types=[
            pltpu.VMEM_SHARED((N, D), jnp.float32),
            pltpu.VMEM((N,), jnp.float32),
            pltpu.VMEM((N,), jnp.float32),
            pltpu.VMEM((CPW, K), jnp.int32),
            pltpu.VMEM((CPW, K), jnp.int32),
            pltpu.VMEM((K, D), jnp.float32),
            pltpu.SemaphoreType.DMA,
        ],
    )
    return k(M, s, d, src3, dst3)



def _gru_body(agg2_ref, x_ref, wih_ref, bih_ref, whh_ref, bhh_ref,
              h_ref, stats_ref, sum_ref, sq_ref):
    i = pl.program_id(0)
    agg = agg2_ref[0] + agg2_ref[1]
    xb = x_ref[...]
    gi = lax.dot_general(agg, wih_ref[...], (((1,), (0,)), ((), ())),
                         preferred_element_type=jnp.float32) + bih_ref[...]
    gh = lax.dot_general(xb, whh_ref[...], (((1,), (0,)), ((), ())),
                         preferred_element_type=jnp.float32) + bhh_ref[...]
    r = jax.nn.sigmoid(gi[:, 0:D] + gh[:, 0:D])
    z = jax.nn.sigmoid(gi[:, D:2 * D] + gh[:, D:2 * D])
    n = jnp.tanh(gi[:, 2 * D:] + r * gh[:, 2 * D:])
    h = (1.0 - z) * n + z * xb
    h_ref[...] = h

    @pl.when(i == 0)
    def _init():
        sum_ref[...] = jnp.zeros_like(sum_ref)
        sq_ref[...] = jnp.zeros_like(sq_ref)

    sum_ref[...] += jnp.sum(h, axis=0, keepdims=True)
    sq_ref[...] += jnp.sum(h * h, axis=0, keepdims=True)

    @pl.when(i == GRID - 1)
    def _fin():
        stats_ref[0:1, :] = sum_ref[...]
        stats_ref[1:2, :] = sq_ref[...]


def _gru(agg2, x, WihT, b_ih, WhhT, b_hh):
    return pl.pallas_call(
        _gru_body,
        grid=(GRID,),
        in_specs=[
            pl.BlockSpec((NC, BN, D), lambda i: (0, i, 0)),
            pl.BlockSpec((BN, D), lambda i: (i, 0)),
            pl.BlockSpec((D, 3 * D), lambda i: (0, 0)),
            pl.BlockSpec((1, 3 * D), lambda i: (0, 0)),
            pl.BlockSpec((D, 3 * D), lambda i: (0, 0)),
            pl.BlockSpec((1, 3 * D), lambda i: (0, 0)),
        ],
        out_specs=[
            pl.BlockSpec((BN, D), lambda i: (i, 0)),
            pl.BlockSpec((2, D), lambda i: (0, 0)),
        ],
        out_shape=[
            jax.ShapeDtypeStruct((N, D), jnp.float32),
            jax.ShapeDtypeStruct((2, D), jnp.float32),
        ],
        scratch_shapes=[
            pltpu.VMEM((1, D), jnp.float32),
            pltpu.VMEM((1, D), jnp.float32),
        ],
    )(agg2, x, WihT, b_ih, WhhT, b_hh)



def _norm_body(h_ref, stats_ref, g_ref, b_ref, o_ref):
    nf = jnp.float32(N)
    mean = stats_ref[0:1, :] / nf
    var = stats_ref[1:2, :] / nf - mean * mean
    inv = lax.rsqrt(var + 1e-5)
    o_ref[...] = (h_ref[...] - mean) * (inv * g_ref[...]) + b_ref[...]


def _norm(h, stats, gamma, beta):
    return pl.pallas_call(
        _norm_body,
        grid=(GRID,),
        in_specs=[
            pl.BlockSpec((BN, D), lambda i: (i, 0)),
            pl.BlockSpec((2, D), lambda i: (0, 0)),
            pl.BlockSpec((1, D), lambda i: (0, 0)),
            pl.BlockSpec((1, D), lambda i: (0, 0)),
        ],
        out_specs=pl.BlockSpec((BN, D), lambda i: (i, 0)),
        out_shape=jax.ShapeDtypeStruct((N, D), jnp.float32),
    )(h, stats, gamma.reshape(1, D), beta.reshape(1, D))



def kernel(x, edge_index, W_msg, b_msg, W_att, b_att, W_ih, b_ih, W_hh, b_hh,
           gamma, beta):
    edge_index = edge_index.astype(jnp.int32)
    src3 = edge_index[0].reshape(NW, NWIN, CPW, K)
    dst3 = edge_index[1].reshape(NW, NWIN, CPW, K)

    M, sd = _precompute(x, W_msg, b_msg, W_att, b_att)
    s = sd[:, 0]
    d = sd[:, 1]

    agg2 = _sc_aggregate(M, s, d, src3, dst3)

    h, stats = _gru(agg2, x, W_ih.T, b_ih.reshape(1, 3 * D),
                    W_hh.T, b_hh.reshape(1, 3 * D))
    return _norm(h, stats, gamma, beta)

# --- scband reference (transcript-rebuilt; emitter-appended) ---
"""Pipeline reference for scband-message-passing-layer-29506425324200 (READ-ONLY COPY).

The authoritative reference and input builder live on the scoring server;
editing this copy changes nothing except your own understanding.
"""

import jax, jax.numpy as jnp
import numpy as np

N = 10000
E = 320000
D = 128


def setup_inputs(seed: int = 0) -> dict:
    key = jax.random.key(seed)
    ks = jax.random.split(key, 12)
    x = jax.random.normal(ks[0], (N, D), dtype=jnp.float32)
    edge_index = jax.random.randint(ks[1], (2, E), 0, N)
    W_msg = jax.random.normal(ks[2], (D, D), dtype=jnp.float32) * 0.05
    b_msg = jax.random.normal(ks[3], (D,), dtype=jnp.float32) * 0.05
    W_att = jax.random.normal(ks[4], (1, 2 * D), dtype=jnp.float32) * 0.05
    b_att = jax.random.normal(ks[5], (1,), dtype=jnp.float32) * 0.05
    W_ih = jax.random.normal(ks[6], (3 * D, D), dtype=jnp.float32) * 0.05
    b_ih = jax.random.normal(ks[7], (3 * D,), dtype=jnp.float32) * 0.05
    W_hh = jax.random.normal(ks[8], (3 * D, D), dtype=jnp.float32) * 0.05
    b_hh = jax.random.normal(ks[9], (3 * D,), dtype=jnp.float32) * 0.05
    gamma = jnp.ones((D,), dtype=jnp.float32)
    beta = jnp.zeros((D,), dtype=jnp.float32)
    return {"x": x, "edge_index": edge_index, "W_msg": W_msg, "b_msg": b_msg,
            "W_att": W_att, "b_att": b_att, "W_ih": W_ih, "b_ih": b_ih,
            "W_hh": W_hh, "b_hh": b_hh, "gamma": gamma, "beta": beta}


def _gru_cell(inp, h, W_ih, b_ih, W_hh, b_hh):
    gi = inp @ W_ih.T + b_ih
    gh = h @ W_hh.T + b_hh
    i_r, i_z, i_n = jnp.split(gi, 3, axis=1)
    h_r, h_z, h_n = jnp.split(gh, 3, axis=1)
    r = jax.nn.sigmoid(i_r + h_r)
    z = jax.nn.sigmoid(i_z + h_z)
    n = jnp.tanh(i_n + r * h_n)
    return (1.0 - z) * n + z * h


def reference(x, edge_index, W_msg, b_msg, W_att, b_att, W_ih, b_ih, W_hh, b_hh, gamma, beta):
    src = edge_index[0]
    dst = edge_index[1]
    x_src = jnp.take(x, src, axis=0)
    x_dst = jnp.take(x, dst, axis=0)
    edge_features = jnp.concatenate([x_src, x_dst], axis=1)
    attention_weights = jax.nn.sigmoid(edge_features @ W_att.T + b_att)
    messages = (x_src @ W_msg.T + b_msg) * attention_weights
    aggregated = jnp.zeros((x.shape[0], x.shape[1]), dtype=x.dtype).at[dst].add(messages)
    h_new = _gru_cell(aggregated, x, W_ih, b_ih, W_hh, b_hh)
    # dropout: identity (eval-mode deterministic reference)
    mean = jnp.mean(h_new, axis=0)
    var = jnp.var(h_new, axis=0)
    h_new = (h_new - mean) / jnp.sqrt(var + 1e-5) * gamma + beta
    return h_new

if __name__ == "__main__":
    import jax
    _d = setup_inputs()
    print(jax.jit(kernel)(*tuple(_d.values())))

</pallas_src>

<mosaic_0001>
#map = affine_map<(d0, d1) -> (0, 0)>
#map1 = affine_map<(d0, d1) -> (0)>
#map2 = affine_map<(d0, d1) -> (0, 0, 0, 0)>
#map3 = affine_map<(d0, d1) -> (0, 0, 0)>
module attributes {stable_mosaic.version = 14 : i64} {
  func.func @_sc_body(%arg0: i32, %arg1: i32, %arg2: memref<10000x128xf32, #tpu.memory_space<hbm>>, %arg3: memref<10000xf32, #tpu.memory_space<hbm>>, %arg4: memref<10000xf32, #tpu.memory_space<hbm>>, %arg5: memref<32x5x25x80xi32, #tpu.memory_space<hbm>>, %arg6: memref<32x5x25x80xi32, #tpu.memory_space<hbm>>, %arg7: memref<2x10000x128xf32, #tpu.memory_space<hbm>>, %arg8: memref<10000x128xf32, #tpu.memory_space<vmem_shared>>, %arg9: memref<10000xf32, #tpu.memory_space<vmem>>, %arg10: memref<10000xf32, #tpu.memory_space<vmem>>, %arg11: memref<25x80xi32, #tpu.memory_space<vmem>>, %arg12: memref<25x80xi32, #tpu.memory_space<vmem>>, %arg13: memref<80x128xf32, #tpu.memory_space<vmem>>, %arg14: memref<!tpu.dma_semaphore, #tpu.memory_space<semaphore_mem>>) attributes {dimension_semantics = [#tpu.dimension_semantics<core_parallel>, #tpu.dimension_semantics<subcore_parallel>], iteration_bounds = array<i64: 2, 16>, scalar_prefetch = 0 : i64, scratch_operands = 7 : i64, tpu.core_type = #tpu.core_type<sc_vector_subcore>, window_params = [{transform_indices = #map}, {transform_indices = #map1}, {transform_indices = #map1}, {transform_indices = #map2}, {transform_indices = #map2}, {transform_indices = #map3}]} {
    %mul3A = arith.constant 16 : i32
    %mul3A_0 = arith.muli %arg0, %mul3A : i32
    %add3A = arith.addi %mul3A_0, %arg1 : i32
    %scan3A = arith.constant 0 : i32
    %scan3A_1 = arith.constant 80 : i32
    %scan3A_2 = arith.addi %scan3A, %scan3A_1 : i32
    %scan3A_3 = arith.constant 1 : i32
    scf.for %scan3A_28 = %scan3A to %scan3A_2 step %scan3A_3  : i32 {
      %broadcast_in_dim3A = arith.constant 0.000000e+00 : f32
      %broadcast_in_dim3A_29 = vector.broadcast %broadcast_in_dim3A : f32 to vector<16xf32>
      %swap3A = arith.index_cast %scan3A_28 : i32 to index
      %swap3A_30 = arith.constant 0 : index
      %swap3A_31 = tpu.vector_load %arg13[%swap3A, %swap3A_30] {strides = array<i32>} : memref<80x128xf32, #tpu.memory_space<vmem>>, vector<16xf32>,
      tpu.vector_store %arg13[%swap3A, %swap3A_30], %broadcast_in_dim3A_29 {strides = array<i32>} : memref<80x128xf32, #tpu.memory_space<vmem>>, vector<16xf32>,
      %broadcast_in_dim3A_32 = arith.constant 0.000000e+00 : f32
      %broadcast_in_dim3A_33 = vector.broadcast %broadcast_in_dim3A_32 : f32 to vector<16xf32>
      %swap3A_34 = arith.index_cast %scan3A_28 : i32 to index
      %swap3A_35 = arith.constant 16 : index
      %swap3A_36 = tpu.vector_load %arg13[%swap3A_34, %swap3A_35] {strides = array<i32>} : memref<80x128xf32, #tpu.memory_space<vmem>>, vector<16xf32>,
      tpu.vector_store %arg13[%swap3A_34, %swap3A_35], %broadcast_in_dim3A_33 {strides = array<i32>} : memref<80x128xf32, #tpu.memory_space<vmem>>, vector<16xf32>,
      %broadcast_in_dim3A_37 = arith.constant 0.000000e+00 : f32
      %broadcast_in_dim3A_38 = vector.broadcast %broadcast_in_dim3A_37 : f32 to vector<16xf32>
      %swap3A_39 = arith.index_cast %scan3A_28 : i32 to index
      %swap3A_40 = arith.constant 32 : index
      %swap3A_41 = tpu.vector_load %arg13[%swap3A_39, %swap3A_40] {strides = array<i32>} : memref<80x128xf32, #tpu.memory_space<vmem>>, vector<16xf32>,
      tpu.vector_store %arg13[%swap3A_39, %swap3A_40], %broadcast_in_dim3A_38 {strides = array<i32>} : memref<80x128xf32, #tpu.memory_space<vmem>>, vector<16xf32>,
      %broadcast_in_dim3A_42 = arith.constant 0.000000e+00 : f32
      %broadcast_in_dim3A_43 = vector.broadcast %broadcast_in_dim3A_42 : f32 to vector<16xf32>
      %swap3A_44 = arith.index_cast %scan3A_28 : i32 to index
      %swap3A_45 = arith.constant 48 : index
      %swap3A_46 = tpu.vector_load %arg13[%swap3A_44, %swap3A_45] {strides = array<i32>} : memref<80x128xf32, #tpu.memory_space<vmem>>, vector<16xf32>,
      tpu.vector_store %arg13[%swap3A_44, %swap3A_45], %broadcast_in_dim3A_43 {strides = array<i32>} : memref<80x128xf32, #tpu.memory_space<vmem>>, vector<16xf32>,
      %broadcast_in_dim3A_47 = arith.constant 0.000000e+00 : f32
      %broadcast_in_dim3A_48 = vector.broadcast %broadcast_in_dim3A_47 : f32 to vector<16xf32>
      %swap3A_49 = arith.index_cast %scan3A_28 : i32 to index
      %swap3A_50 = arith.constant 64 : index
      %swap3A_51 = tpu.vector_load %arg13[%swap3A_49, %swap3A_50] {strides = array<i32>} : memref<80x128xf32, #tpu.memory_space<vmem>>, vector<16xf32>,
      tpu.vector_store %arg13[%swap3A_49, %swap3A_50], %broadcast_in_dim3A_48 {strides = array<i32>} : memref<80x128xf32, #tpu.memory_space<vmem>>, vector<16xf32>,
      %broadcast_in_dim3A_52 = arith.constant 0.000000e+00 : f32
      %broadcast_in_dim3A_53 = vector.broadcast %broadcast_in_dim3A_52 : f32 to vector<16xf32>
      %swap3A_54 = arith.index_cast %scan3A_28 : i32 to index
      %swap3A_55 = arith.constant 80 : index
      %swap3A_56 = tpu.vector_load %arg13[%swap3A_54, %swap3A_55] {strides = array<i32>} : memref<80x128xf32, #tpu.memory_space<vmem>>, vector<16xf32>,
      tpu.vector_store %arg13[%swap3A_54, %swap3A_55], %broadcast_in_dim3A_53 {strides = array<i32>} : memref<80x128xf32, #tpu.memory_space<vmem>>, vector<16xf32>,
      %broadcast_in_dim3A_57 = arith.constant 0.000000e+00 : f32
      %broadcast_in_dim3A_58 = vector.broadcast %broadcast_in_dim3A_57 : f32 to vector<16xf32>
      %swap3A_59 = arith.index_cast %scan3A_28 : i32 to index
      %swap3A_60 = arith.constant 96 : index
      %swap3A_61 = tpu.vector_load %arg13[%swap3A_59, %swap3A_60] {strides = array<i32>} : memref<80x128xf32, #tpu.memory_space<vmem>>, vector<16xf32>,
      tpu.vector_store %arg13[%swap3A_59, %swap3A_60], %broadcast_in_dim3A_58 {strides = array<i32>} : memref<80x128xf32, #tpu.memory_space<vmem>>, vector<16xf32>,
      %broadcast_in_dim3A_62 = arith.constant 0.000000e+00 : f32
      %broadcast_in_dim3A_63 = vector.broadcast %broadcast_in_dim3A_62 : f32 to vector<16xf32>
      %swap3A_64 = arith.index_cast %scan3A_28 : i32 to index
      %swap3A_65 = arith.constant 112 : index
      %swap3A_66 = tpu.vector_load %arg13[%swap3A_64, %swap3A_65] {strides = array<i32>} : memref<80x128xf32, #tpu.memory_space<vmem>>, vector<16xf32>,
      tpu.vector_store %arg13[%swap3A_64, %swap3A_65], %broadcast_in_dim3A_63 {strides = array<i32>} : memref<80x128xf32, #tpu.memory_space<vmem>>, vector<16xf32>,
    }
    %scan3A_4 = arith.constant 80 : i32
    %eq3A = arith.constant 15 : i32
    %eq3A_5 = arith.cmpi eq, %arg1, %eq3A : i32
    %jit3A = arith.constant 5 : i32
    %jit3A_6 = arith.constant 8 : i32
    %select_n3A = arith.select %eq3A_5, %jit3A, %jit3A_6 : i32
    %while3A = arith.constant 0 : i32
    %while3A_7 = arith.subi %select_n3A, %while3A : i32
    %while3A_8 = arith.addi %while3A, %while3A_7 : i32
    %while3A_9 = arith.constant 1 : i32
    %while3A_10 = arith.divsi %while3A_7, %while3A_9 : i32
    %while3A_11 = arith.muli %while3A_10, %while3A_9 : i32
    %while3A_12 = arith.addi %while3A, %while3A_11 : i32
    %while3A_13 = arith.constant 1 : i32
    scf.for %while3A_28 = %while3A to %while3A_12 step %while3A_13  : i32 {
      %mul3A_29 = arith.constant 640 : i32
      %mul3A_30 = arith.muli %arg1, %mul3A_29 : i32
      %mul3A_31 = arith.constant 80 : i32
      %mul3A_32 = arith.muli %while3A_28, %mul3A_31 : i32
      %add3A_33 = arith.addi %mul3A_30, %mul3A_32 : i32
      "tpu.region"() ({
        %run_scoped3A = tpu.sem_alloc : memref<!tpu.dma_semaphore, #tpu.memory_space<semaphore_mem>>
        %dma_start3A = arith.constant 0 : i32
        %dma_start3A_34 = tpu.memref_slice %arg8[%add3A_33, %dma_start3A] : memref<10000x128xf32, #tpu.memory_space<vmem_shared>> -> memref<80x128xf32, #tpu.memory_space<vmem_shared>>
        %dma_start3A_35 = arith.constant 0 : i32
        %dma_start3A_36 = tpu.memref_slice %arg8[%add3A_33, %dma_start3A_35] : memref<10000x128xf32, #tpu.memory_space<vmem_shared>> -> memref<80x128xf32, #tpu.memory_space<vmem_shared>>
        tpu.enqueue_dma source(%arg13 : memref<80x128xf32, #tpu.memory_space<vmem>>) target(%dma_start3A_36 : memref<80x128xf32, #tpu.memory_space<vmem_shared>>) target_semaphore(%run_scoped3A : memref<!tpu.dma_semaphore, #tpu.memory_space<semaphore_mem>>)
        %dma_wait3A = arith.constant 0 : i32
        %dma_wait3A_37 = tpu.memref_slice %arg8[%add3A_33, %dma_wait3A] : memref<10000x128xf32, #tpu.memory_space<vmem_shared>> -> memref<80x128xf32, #tpu.memory_space<vmem_shared>>
        %dma_wait3A_38 = arith.constant 0 : i32
        %dma_wait3A_39 = tpu.memref_slice %arg8[%add3A_33, %dma_wait3A_38] : memref<10000x128xf32, #tpu.memory_space<vmem_shared>> -> memref<80x128xf32, #tpu.memory_space<vmem_shared>>
        tpu.wait_dma2 semaphore(%run_scoped3A : memref<!tpu.dma_semaphore, #tpu.memory_space<semaphore_mem>>) src(%arg13 : memref<80x128xf32, #tpu.memory_space<vmem>>) dst(%dma_wait3A_39 : memref<80x128xf32, #tpu.memory_space<vmem_shared>>)
        tpu.yield
      }) : () -> ()
    }
    %while3A_14 = arith.constant 1 : i32
    scf.for %while3A_28 = %while3A_12 to %while3A_8 step %while3A_14  : i32 {
      %mul3A_29 = arith.constant 640 : i32
      %mul3A_30 = arith.muli %arg1, %mul3A_29 : i32
      %mul3A_31 = arith.constant 80 : i32
      %mul3A_32 = arith.muli %while3A_28, %mul3A_31 : i32
      %add3A_33 = arith.addi %mul3A_30, %mul3A_32 : i32
      "tpu.region"() ({
        %run_scoped3A = tpu.sem_alloc : memref<!tpu.dma_semaphore, #tpu.memory_space<semaphore_mem>>
        %dma_start3A = arith.constant 0 : i32
        %dma_start3A_34 = tpu.memref_slice %arg8[%add3A_33, %dma_start3A] : memref<10000x128xf32, #tpu.memory_space<vmem_shared>> -> memref<80x128xf32, #tpu.memory_space<vmem_shared>>
        %dma_start3A_35 = arith.constant 0 : i32
        %dma_start3A_36 = tpu.memref_slice %arg8[%add3A_33, %dma_start3A_35] : memref<10000x128xf32, #tpu.memory_space<vmem_shared>> -> memref<80x128xf32, #tpu.memory_space<vmem_shared>>
        tpu.enqueue_dma source(%arg13 : memref<80x128xf32, #tpu.memory_space<vmem>>) target(%dma_start3A_36 : memref<80x128xf32, #tpu.memory_space<vmem_shared>>) target_semaphore(%run_scoped3A : memref<!tpu.dma_semaphore, #tpu.memory_space<semaphore_mem>>)
        %dma_wait3A = arith.constant 0 : i32
        %dma_wait3A_37 = tpu.memref_slice %arg8[%add3A_33, %dma_wait3A] : memref<10000x128xf32, #tpu.memory_space<vmem_shared>> -> memref<80x128xf32, #tpu.memory_space<vmem_shared>>
        %dma_wait3A_38 = arith.constant 0 : i32
        %dma_wait3A_39 = tpu.memref_slice %arg8[%add3A_33, %dma_wait3A_38] : memref<10000x128xf32, #tpu.memory_space<vmem_shared>> -> memref<80x128xf32, #tpu.memory_space<vmem_shared>>
        tpu.wait_dma2 semaphore(%run_scoped3A : memref<!tpu.dma_semaphore, #tpu.memory_space<semaphore_mem>>) src(%arg13 : memref<80x128xf32, #tpu.memory_space<vmem>>) dst(%dma_wait3A_39 : memref<80x128xf32, #tpu.memory_space<vmem_shared>>)
        tpu.yield
      }) : () -> ()
    }
    "tpu.region"() ({
      %run_scoped3A = tpu.sem_alloc : memref<!tpu.dma_semaphore, #tpu.memory_space<semaphore_mem>>
      tpu.enqueue_dma source(%arg3 : memref<10000xf32, #tpu.memory_space<hbm>>) target(%arg9 : memref<10000xf32, #tpu.memory_space<vmem>>) target_semaphore(%run_scoped3A : memref<!tpu.dma_semaphore, #tpu.memory_space<semaphore_mem>>)
      tpu.wait_dma2 semaphore(%run_scoped3A : memref<!tpu.dma_semaphore, #tpu.memory_space<semaphore_mem>>) src(%arg3 : memref<10000xf32, #tpu.memory_space<hbm>>) dst(%arg9 : memref<10000xf32, #tpu.memory_space<vmem>>)
      tpu.yield
    }) : () -> ()
    "tpu.region"() ({
      %run_scoped3A = tpu.sem_alloc : memref<!tpu.dma_semaphore, #tpu.memory_space<semaphore_mem>>
      tpu.enqueue_dma source(%arg4 : memref<10000xf32, #tpu.memory_space<hbm>>) target(%arg10 : memref<10000xf32, #tpu.memory_space<vmem>>) target_semaphore(%run_scoped3A : memref<!tpu.dma_semaphore, #tpu.memory_space<semaphore_mem>>)
      tpu.wait_dma2 semaphore(%run_scoped3A : memref<!tpu.dma_semaphore, #tpu.memory_space<semaphore_mem>>) src(%arg4 : memref<10000xf32, #tpu.memory_space<hbm>>) dst(%arg10 : memref<10000xf32, #tpu.memory_space<vmem>>)
      tpu.yield
    }) : () -> ()
    %barrier3A = arith.constant 0 : index
    tpu.barrier barrier_id(%barrier3A)
    %scan3A_15 = arith.constant 0 : i32
    %scan3A_16 = arith.constant 5 : i32
    %scan3A_17 = arith.addi %scan3A_15, %scan3A_16 : i32
    %scan3A_18 = arith.constant 1 : i32
    scf.for %scan3A_28 = %scan3A_15 to %scan3A_17 step %scan3A_18  : i32 {
      "tpu.region"() ({
        %run_scoped3A = tpu.sem_alloc : memref<!tpu.dma_semaphore, #tpu.memory_space<semaphore_mem>>
        %dma_start3A = arith.constant 0 : i32
        %dma_start3A_34 = arith.constant 0 : i32
        %dma_start3A_35 = tpu.memref_slice %arg5[%add3A, %scan3A_28, %dma_start3A, %dma_start3A_34] : memref<32x5x25x80xi32, #tpu.memory_space<hbm>> -> memref<1x1x25x80xi32, #tpu.memory_space<hbm>>
        %dma_start3A_36 = tpu.memref_squeeze %dma_start3A_35 : memref<1x1x25x80xi32, #tpu.memory_space<hbm>> -> memref<25x80xi32, #tpu.memory_space<hbm>>
        %dma_start3A_37 = arith.constant 0 : i32
        %dma_start3A_38 = arith.constant 0 : i32
        %dma_start3A_39 = tpu.memref_slice %arg5[%add3A, %scan3A_28, %dma_start3A_37, %dma_start3A_38] : memref<32x5x25x80xi32, #tpu.memory_space<hbm>> -> memref<1x1x25x80xi32, #tpu.memory_space<hbm>>
        %dma_start3A_40 = tpu.memref_squeeze %dma_start3A_39 : memref<1x1x25x80xi32, #tpu.memory_space<hbm>> -> memref<25x80xi32, #tpu.memory_space<hbm>>
        tpu.enqueue_dma source(%dma_start3A_40 : memref<25x80xi32, #tpu.memory_space<hbm>>) target(%arg11 : memref<25x80xi32, #tpu.memory_space<vmem>>) target_semaphore(%run_scoped3A : memref<!tpu.dma_semaphore, #tpu.memory_space<semaphore_mem>>)
        %dma_wait3A = arith.constant 0 : i32
        %dma_wait3A_41 = arith.constant 0 : i32
        %dma_wait3A_42 = tpu.memref_slice %arg5[%add3A, %scan3A_28, %dma_wait3A, %dma_wait3A_41] : memref<32x5x25x80xi32, #tpu.memory_space<hbm>> -> memref<1x1x25x80xi32, #tpu.memory_space<hbm>>
        %dma_wait3A_43 = tpu.memref_squeeze %dma_wait3A_42 : memref<1x1x25x80xi32, #tpu.memory_space<hbm>> -> memref<25x80xi32, #tpu.memory_space<hbm>>
        %dma_wait3A_44 = arith.constant 0 : i32
        %dma_wait3A_45 = arith.constant 0 : i32
        %dma_wait3A_46 = tpu.memref_slice %arg5[%add3A, %scan3A_28, %dma_wait3A_44, %dma_wait3A_45] : memref<32x5x25x80xi32, #tpu.memory_space<hbm>> -> memref<1x1x25x80xi32, #tpu.memory_space<hbm>>
        %dma_wait3A_47 = tpu.memref_squeeze %dma_wait3A_46 : memref<1x1x25x80xi32, #tpu.memory_space<hbm>> -> memref<25x80xi32, #tpu.memory_space<hbm>>
        tpu.wait_dma2 semaphore(%run_scoped3A : memref<!tpu.dma_semaphore, #tpu.memory_space<semaphore_mem>>) src(%dma_wait3A_47 : memref<25x80xi32, #tpu.memory_space<hbm>>) dst(%arg11 : memref<25x80xi32, #tpu.memory_space<vmem>>)
        tpu.yield
      }) : () -> ()
      "tpu.region"() ({
        %run_scoped3A = tpu.sem_alloc : memref<!tpu.dma_semaphore, #tpu.memory_space<semaphore_mem>>
        %dma_start3A = arith.constant 0 : i32
        %dma_start3A_34 = arith.constant 0 : i32
        %dma_start3A_35 = tpu.memref_slice %arg6[%add3A, %scan3A_28, %dma_start3A, %dma_start3A_34] : memref<32x5x25x80xi32, #tpu.memory_space<hbm>> -> memref<1x1x25x80xi32, #tpu.memory_space<hbm>>
        %dma_start3A_36 = tpu.memref_squeeze %dma_start3A_35 : memref<1x1x25x80xi32, #tpu.memory_space<hbm>> -> memref<25x80xi32, #tpu.memory_space<hbm>>
        %dma_start3A_37 = arith.constant 0 : i32
        %dma_start3A_38 = arith.constant 0 : i32
        %dma_start3A_39 = tpu.memref_slice %arg6[%add3A, %scan3A_28, %dma_start3A_37, %dma_start3A_38] : memref<32x5x25x80xi32, #tpu.memory_space<hbm>> -> memref<1x1x25x80xi32, #tpu.memory_space<hbm>>
        %dma_start3A_40 = tpu.memref_squeeze %dma_start3A_39 : memref<1x1x25x80xi32, #tpu.memory_space<hbm>> -> memref<25x80xi32, #tpu.memory_space<hbm>>
        tpu.enqueue_dma source(%dma_start3A_40 : memref<25x80xi32, #tpu.memory_space<hbm>>) target(%arg12 : memref<25x80xi32, #tpu.memory_space<vmem>>) target_semaphore(%run_scoped3A : memref<!tpu.dma_semaphore, #tpu.memory_space<semaphore_mem>>)
        %dma_wait3A = arith.constant 0 : i32
        %dma_wait3A_41 = arith.constant 0 : i32
        %dma_wait3A_42 = tpu.memref_slice %arg6[%add3A, %scan3A_28, %dma_wait3A, %dma_wait3A_41] : memref<32x5x25x80xi32, #tpu.memory_space<hbm>> -> memref<1x1x25x80xi32, #tpu.memory_space<hbm>>
        %dma_wait3A_43 = tpu.memref_squeeze %dma_wait3A_42 : memref<1x1x25x80xi32, #tpu.memory_space<hbm>> -> memref<25x80xi32, #tpu.memory_space<hbm>>
        %dma_wait3A_44 = arith.constant 0 : i32
        %dma_wait3A_45 = arith.constant 0 : i32
        %dma_wait3A_46 = tpu.memref_slice %arg6[%add3A, %scan3A_28, %dma_wait3A_44, %dma_wait3A_45] : memref<32x5x25x80xi32, #tpu.memory_space<hbm>> -> memref<1x1x25x80xi32, #tpu.memory_space<hbm>>
        %dma_wait3A_47 = tpu.memref_squeeze %dma_wait3A_46 : memref<1x1x25x80xi32, #tpu.memory_space<hbm>> -> memref<25x80xi32, #tpu.memory_space<hbm>>
        tpu.wait_dma2 semaphore(%run_scoped3A : memref<!tpu.dma_semaphore, #tpu.memory_space<semaphore_mem>>) src(%dma_wait3A_47 : memref<25x80xi32, #tpu.memory_space<hbm>>) dst(%arg12 : memref<25x80xi32, #tpu.memory_space<vmem>>)
        tpu.yield
      }) : () -> ()
      %scan3A_29 = arith.constant 0 : i32
      %scan3A_30 = arith.constant 25 : i32
      %scan3A_31 = arith.addi %scan3A_29, %scan3A_30 : i32
      %scan3A_32 = arith.constant 1 : i32
      scf.for %scan3A_34 = %scan3A_29 to %scan3A_31 step %scan3A_32  : i32 {
        %dma_start3A = arith.constant 0 : i32
        %dma_start3A_35 = tpu.memref_slice %arg11[%scan3A_34, %dma_start3A] : memref<25x80xi32, #tpu.memory_space<vmem>> -> memref<1x80xi32, #tpu.memory_space<vmem>>
        %dma_start3A_36 = tpu.memref_squeeze %dma_start3A_35 : memref<1x80xi32, #tpu.memory_space<vmem>> -> memref<80xi32, #tpu.memory_space<vmem>>
        %dma_start3A_37 = arith.constant 0 : i32
        %dma_start3A_38 = arith.constant 0 : i32
        %dma_start3A_39 = tpu.memref_slice %arg2[%dma_start3A_37, %dma_start3A_38] : memref<10000x128xf32, #tpu.memory_space<hbm>> -> memref<10000x128xf32, #tpu.memory_space<hbm>>
        tpu.enqueue_indirect_dma source(%dma_start3A_39 : memref<10000x128xf32, #tpu.memory_space<hbm>>) target(%arg13 : memref<80x128xf32, #tpu.memory_space<vmem>>) offsets(%dma_start3A_36 : memref<80xi32, #tpu.memory_space<vmem>>) semaphore(%arg14 : memref<!tpu.dma_semaphore, #tpu.memory_space<semaphore_mem>>)
        %dma_wait3A = arith.constant 0 : i32
        %dma_wait3A_40 = tpu.memref_slice %arg11[%scan3A_34, %dma_wait3A] : memref<25x80xi32, #tpu.memory_space<vmem>> -> memref<1x80xi32, #tpu.memory_space<vmem>>
        %dma_wait3A_41 = tpu.memref_squeeze %dma_wait3A_40 : memref<1x80xi32, #tpu.memory_space<vmem>> -> memref<80xi32, #tpu.memory_space<vmem>>
        %dma_wait3A_42 = arith.constant 0 : i32
        %dma_wait3A_43 = arith.constant 0 : i32
        %dma_wait3A_44 = tpu.memref_slice %arg2[%dma_wait3A_42, %dma_wait3A_43] : memref<10000x128xf32, #tpu.memory_space<hbm>> -> memref<10000x128xf32, #tpu.memory_space<hbm>>
        tpu.wait_indirect_dma semaphore(%arg14 : memref<!tpu.dma_semaphore, #tpu.memory_space<semaphore_mem>>) src(%dma_wait3A_44 : memref<10000x128xf32, #tpu.memory_space<hbm>>) dst(%arg13 : memref<80x128xf32, #tpu.memory_space<vmem>>)
        %scan3A_45 = arith.constant 0 : i32
        %scan3A_46 = arith.constant 5 : i32
        %scan3A_47 = arith.addi %scan3A_45, %scan3A_46 : i32
        %scan3A_48 = arith.constant 1 : i32
        scf.for %scan3A_50 = %scan3A_45 to %scan3A_47 step %scan3A_48  : i32 {
          %mul3A_51 = arith.constant 16 : i32
          %mul3A_52 = arith.muli %scan3A_50, %mul3A_51 : i32
          %get3A = arith.index_cast %scan3A_34 : i32 to index
          %get3A_53 = arith.index_cast %mul3A_52 : i32 to index
          %get3A_54 = tpu.vector_load %arg11[%get3A, %get3A_53] {strides = array<i32>} : memref<25x80xi32, #tpu.memory_space<vmem>>, vector<16xi32>,
          %mul3A_55 = arith.constant 16 : i32
          %mul3A_56 = arith.muli %scan3A_50, %mul3A_55 : i32
          %get3A_57 = arith.index_cast %scan3A_34 : i32 to index
          %get3A_58 = arith.index_cast %mul3A_56 : i32 to index
          %get3A_59 = tpu.vector_load %arg12[%get3A_57, %get3A_58] {strides = array<i32>} : memref<25x80xi32, #tpu.memory_space<vmem>>, vector<16xi32>,
          %gather3A = tpu.vector_load_idx %arg9[%get3A_54] : memref<10000xf32, #tpu.memory_space<vmem>>[vector<16xi32>], vector<16xf32>,
          %gather3A_60 = tpu.vector_load_idx %arg10[%get3A_59] : memref<10000xf32, #tpu.memory_space<vmem>>[vector<16xi32>], vector<16xf32>,
          %add3A_61 = arith.addf %gather3A, %gather3A_60 : vector<16xf32>
          %neg3A = arith.constant 0.000000e+00 : f32
          %neg3A_62 = vector.broadcast %neg3A : f32 to vector<16xf32>
          %neg3A_63 = arith.subf %neg3A_62, %add3A_61 : vector<16xf32>
          %exp3A = math.exp %neg3A_63 : vector<16xf32>
          %add3A_64 = arith.constant 1.000000e+00 : f32
          %add3A_65 = vector.broadcast %add3A_64 : f32 to vector<16xf32>
          %add3A_66 = arith.addf %add3A_65, %exp3A : vector<16xf32>
          %div3A = arith.constant 1.000000e+00 : f32
          %div3A_67 = vector.broadcast %div3A : f32 to vector<16xf32>
          %div3A_68 = arith.divf %div3A_67, %add3A_66 : vector<16xf32>
          %slice3A = vector.extract_strided_slice %div3A_68 {offsets = [0], sizes = [1], strides = [1]} : vector<16xf32> to vector<1xf32>
          %squeeze3A = vector.extract %slice3A[0] : f32 from vector<1xf32>
          %broadcast_in_dim3A = vector.broadcast %squeeze3A : f32 to vector<16xf32>
          %mul3A_69 = arith.constant 16 : i32
          %mul3A_70 = arith.muli %scan3A_50, %mul3A_69 : i32
          %add3A_71 = arith.constant 0 : i32
          %add3A_72 = arith.addi %mul3A_70, %add3A_71 : i32
          %get3A_73 = arith.index_cast %add3A_72 : i32 to index
          %get3A_74 = arith.constant 0 : index
          %get3A_75 = tpu.vector_load %arg13[%get3A_73, %get3A_74] {strides = array<i32>} : memref<80x128xf32, #tpu.memory_space<vmem>>, vector<16xf32>,
          %mul3A_76 = arith.mulf %get3A_75, %broadcast_in_dim3A : vector<16xf32>
          %swap3A = arith.index_cast %add3A_72 : i32 to index
          %swap3A_77 = arith.constant 0 : index
          %swap3A_78 = tpu.vector_load %arg13[%swap3A, %swap3A_77] {strides = array<i32>} : memref<80x128xf32, #tpu.memory_space<vmem>>, vector<16xf32>,
          tpu.vector_store %arg13[%swap3A, %swap3A_77], %mul3A_76 {strides = array<i32>} : memref<80x128xf32, #tpu.memory_space<vmem>>, vector<16xf32>,
          %get3A_79 = arith.index_cast %add3A_72 : i32 to index
          %get3A_80 = arith.constant 16 : index
          %get3A_81 = tpu.vector_load %arg13[%get3A_79, %get3A_80] {strides = array<i32>} : memref<80x128xf32, #tpu.memory_space<vmem>>, vector<16xf32>,
          %mul3A_82 = arith.mulf %get3A_81, %broadcast_in_dim3A : vector<16xf32>
          %swap3A_83 = arith.index_cast %add3A_72 : i32 to index
          %swap3A_84 = arith.constant 16 : index
          %swap3A_85 = tpu.vector_load %arg13[%swap3A_83, %swap3A_84] {strides = array<i32>} : memref<80x128xf32, #tpu.memory_space<vmem>>, vector<16xf32>,
          tpu.vector_store %arg13[%swap3A_83, %swap3A_84], %mul3A_82 {strides = array<i32>} : memref<80x128xf32, #tpu.memory_space<vmem>>, vector<16xf32>,
          %get3A_86 = arith.index_cast %add3A_72 : i32 to index
          %get3A_87 = arith.constant 32 : index
          %get3A_88 = tpu.vector_load %arg13[%get3A_86, %get3A_87] {strides = array<i32>} : memref<80x128xf32, #tpu.memory_space<vmem>>, vector<16xf32>,
          %mul3A_89 = arith.mulf %get3A_88, %broadcast_in_dim3A : vector<16xf32>
          %swap3A_90 = arith.index_cast %add3A_72 : i32 to index
          %swap3A_91 = arith.constant 32 : index
          %swap3A_92 = tpu.vector_load %arg13[%swap3A_90, %swap3A_91] {strides = array<i32>} : memref<80x128xf32, #tpu.memory_space<vmem>>, vector<16xf32>,
          tpu.vector_store %arg13[%swap3A_90, %swap3A_91], %mul3A_89 {strides = array<i32>} : memref<80x128xf32, #tpu.memory_space<vmem>>, vector<16xf32>,
          %get3A_93 = arith.index_cast %add3A_72 : i32 to index
          %get3A_94 = arith.constant 48 : index
          %get3A_95 = tpu.vector_load %arg13[%get3A_93, %get3A_94] {strides = array<i32>} : memref<80x128xf32, #tpu.memory_space<vmem>>, vector<16xf32>,
          %mul3A_96 = arith.mulf %get3A_95, %broadcast_in_dim3A : vector<16xf32>
          %swap3A_97 = arith.index_cast %add3A_72 : i32 to index
          %swap3A_98 = arith.constant 48 : index
          %swap3A_99 = tpu.vector_load %arg13[%swap3A_97, %swap3A_98] {strides = array<i32>} : memref<80x128xf32, #tpu.memory_space<vmem>>, vector<16xf32>,
          tpu.vector_store %arg13[%swap3A_97, %swap3A_98], %mul3A_96 {strides = array<i32>} : memref<80x128xf32, #tpu.memory_space<vmem>>, vector<16xf32>,
          %get3A_100 = arith.index_cast %add3A_72 : i32 to index
          %get3A_101 = arith.constant 64 : index
          %get3A_102 = tpu.vector_load %arg13[%get3A_100, %get3A_101] {strides = array<i32>} : memref<80x128xf32, #tpu.memory_space<vmem>>, vector<16xf32>,
          %mul3A_103 = arith.mulf %get3A_102, %broadcast_in_dim3A : vector<16xf32>
          %swap3A_104 = arith.index_cast %add3A_72 : i32 to index
          %swap3A_105 = arith.constant 64 : index
          %swap3A_106 = tpu.vector_load %arg13[%swap3A_104, %swap3A_105] {strides = array<i32>} : memref<80x128xf32, #tpu.memory_space<vmem>>, vector<16xf32>,
          tpu.vector_store %arg13[%swap3A_104, %swap3A_105], %mul3A_103 {strides = array<i32>} : memref<80x128xf32, #tpu.memory_space<vmem>>, vector<16xf32>,
          %get3A_107 = arith.index_cast %add3A_72 : i32 to index
          %get3A_108 = arith.constant 80 : index
          %get3A_109 = tpu.vector_load %arg13[%get3A_107, %get3A_108] {strides = array<i32>} : memref<80x128xf32, #tpu.memory_space<vmem>>, vector<16xf32>,
          %mul3A_110 = arith.mulf %get3A_109, %broadcast_in_dim3A : vector<16xf32>
          %swap3A_111 = arith.index_cast %add3A_72 : i32 to index
          %swap3A_112 = arith.constant 80 : index
          %swap3A_113 = tpu.vector_load %arg13[%swap3A_111, %swap3A_112] {strides = array<i32>} : memref<80x128xf32, #tpu.memory_space<vmem>>, vector<16xf32>,
          tpu.vector_store %arg13[%swap3A_111, %swap3A_112], %mul3A_110 {strides = array<i32>} : memref<80x128xf32, #tpu.memory_space<vmem>>, vector<16xf32>,
          %get3A_114 = arith.index_cast %add3A_72 : i32 to index
          %get3A_115 = arith.constant 96 : index
          %get3A_116 = tpu.vector_load %arg13[%get3A_114, %get3A_115] {strides = array<i32>} : memref<80x128xf32, #tpu.memory_space<vmem>>, vector<16xf32>,
          %mul3A_117 = arith.mulf %get3A_116, %broadcast_in_dim3A : vector<16xf32>
          %swap3A_118 = arith.index_cast %add3A_72 : i32 to index
          %swap3A_119 = arith.constant 96 : index
          %swap3A_120 = tpu.vector_load %arg13[%swap3A_118, %swap3A_119] {strides = array<i32>} : memref<80x128xf32, #tpu.memory_space<vmem>>, vector<16xf32>,
          tpu.vector_store %arg13[%swap3A_118, %swap3A_119], %mul3A_117 {strides = array<i32>} : memref<80x128xf32, #tpu.memory_space<vmem>>, vector<16xf32>,
          %get3A_121 = arith.index_cast %add3A_72 : i32 to index
          %get3A_122 = arith.constant 112 : index
          %get3A_123 = tpu.vector_load %arg13[%get3A_121, %get3A_122] {strides = array<i32>} : memref<80x128xf32, #tpu.memory_space<vmem>>, vector<16xf32>,
          %mul3A_124 = arith.mulf %get3A_123, %broadcast_in_dim3A : vector<16xf32>
          %swap3A_125 = arith.index_cast %add3A_72 : i32 to index
          %swap3A_126 = arith.constant 112 : index
          %swap3A_127 = tpu.vector_load %arg13[%swap3A_125, %swap3A_126] {strides = array<i32>} : memref<80x128xf32, #tpu.memory_space<vmem>>, vector<16xf32>,
          tpu.vector_store %arg13[%swap3A_125, %swap3A_126], %mul3A_124 {strides = array<i32>} : memref<80x128xf32, #tpu.memory_space<vmem>>, vector<16xf32>,
          %slice3A_128 = vector.extract_strided_slice %div3A_68 {offsets = [1], sizes = [1], strides = [1]} : vector<16xf32> to vector<1xf32>
          %squeeze3A_129 = vector.extract %slice3A_128[0] : f32 from vector<1xf32>
          %broadcast_in_dim3A_130 = vector.broadcast %squeeze3A_129 : f32 to vector<16xf32>
          %mul3A_131 = arith.constant 16 : i32
          %mul3A_132 = arith.muli %scan3A_50, %mul3A_131 : i32
          %add3A_133 = arith.constant 1 : i32
          %add3A_134 = arith.addi %mul3A_132, %add3A_133 : i32
          %get3A_135 = arith.index_cast %add3A_134 : i32 to index
          %get3A_136 = arith.constant 0 : index
          %get3A_137 = tpu.vector_load %arg13[%get3A_135, %get3A_136] {strides = array<i32>} : memref<80x128xf32, #tpu.memory_space<vmem>>, vector<16xf32>,
          %mul3A_138 = arith.mulf %get3A_137, %broadcast_in_dim3A_130 : vector<16xf32>
          %swap3A_139 = arith.index_cast %add3A_134 : i32 to index
          %swap3A_140 = arith.constant 0 : index
          %swap3A_141 = tpu.vector_load %arg13[%swap3A_139, %swap3A_140] {strides = array<i32>} : memref<80x128xf32, #tpu.memory_space<vmem>>, vector<16xf32>,
          tpu.vector_store %arg13[%swap3A_139, %swap3A_140], %mul3A_138 {strides = array<i32>} : memref<80x128xf32, #tpu.memory_space<vmem>>, vector<16xf32>,
          %get3A_142 = arith.index_cast %add3A_134 : i32 to index
          %get3A_143 = arith.constant 16 : index
          %get3A_144 = tpu.vector_load %arg13[%get3A_142, %get3A_143] {strides = array<i32>} : memref<80x128xf32, #tpu.memory_space<vmem>>, vector<16xf32>,
          %mul3A_145 = arith.mulf %get3A_144, %broadcast_in_dim3A_130 : vector<16xf32>
          %swap3A_146 = arith.index_cast %add3A_134 : i32 to index
          %swap3A_147 = arith.constant 16 : index
          %swap3A_148 = tpu.vector_load %arg13[%swap3A_146, %swap3A_147] {strides = array<i32>} : memref<80x128xf32, #tpu.memory_space<vmem>>, vector<16xf32>,
          tpu.vector_store %arg13[%swap3A_146, %swap3A_147], %mul3A_145 {strides = array<i32>} : memref<80x128xf32, #tpu.memory_space<vmem>>, vector<16xf32>,
          %get3A_149 = arith.index_cast %add3A_134 : i32 to index
          %get3A_150 = arith.constant 32 : index
          %get3A_151 = tpu.vector_load %arg13[%get3A_149, %get3A_150] {strides = array<i32>} : memref<80x128xf32, #tpu.memory_space<vmem>>, vector<16xf32>,
          %mul3A_152 = arith.mulf %get3A_151, %broadcast_in_dim3A_130 : vector<16xf32>
          %swap3A_153 = arith.index_cast %add3A_134 : i32 to index
          %swap3A_154 = arith.constant 32 : index
          %swap3A_155 = tpu.vector_load %arg13[%swap3A_153, %swap3A_154] {strides = array<i32>} : memref<80x128xf32, #tpu.memory_space<vmem>>, vector<16xf32>,
          tpu.vector_store %arg13[%swap3A_153, %swap3A_154], %mul3A_152 {strides = array<i32>} : memref<80x128xf32, #tpu.memory_space<vmem>>, vector<16xf32>,
          %get3A_156 = arith.index_cast %add3A_134 : i32 to index
          %get3A_157 = arith.constant 48 : index
          %get3A_158 = tpu.vector_load %arg13[%get3A_156, %get3A_157] {strides = array<i32>} : memref<80x128xf32, #tpu.memory_space<vmem>>, vector<16xf32>,
          %mul3A_159 = arith.mulf %get3A_158, %broadcast_in_dim3A_130 : vector<16xf32>
          %swap3A_160 = arith.index_cast %add3A_134 : i32 to index
          %swap3A_161 = arith.constant 48 : index
          %swap3A_162 = tpu.vector_load %arg13[%swap3A_160, %swap3A_161] {strides = array<i32>} : memref<80x128xf32, #tpu.memory_space<vmem>>, vector<16xf32>,
          tpu.vector_store %arg13[%swap3A_160, %swap3A_161], %mul3A_159 {strides = array<i32>} : memref<80x128xf32, #tpu.memory_space<vmem>>, vector<16xf32>,
          %get3A_163 = arith.index_cast %add3A_134 : i32 to index
          %get3A_164 = arith.constant 64 : index
          %get3A_165 = tpu.vector_load %arg13[%get3A_163, %get3A_164] {strides = array<i32>} : memref<80x128xf32, #tpu.memory_space<vmem>>, vector<16xf32>,
          %mul3A_166 = arith.mulf %get3A_165, %broadcast_in_dim3A_130 : vector<16xf32>
          %swap3A_167 = arith.index_cast %add3A_134 : i32 to index
          %swap3A_168 = arith.constant 64 : index
          %swap3A_169 = tpu.vector_load %arg13[%swap3A_167, %swap3A_168] {strides = array<i32>} : memref<80x128xf32, #tpu.memory_space<vmem>>, vector<16xf32>,
          tpu.vector_store %arg13[%swap3A_167, %swap3A_168], %mul3A_166 {strides = array<i32>} : memref<80x128xf32, #tpu.memory_space<vmem>>, vector<16xf32>,
          %get3A_170 = arith.index_cast %add3A_134 : i32 to index
          %get3A_171 = arith.constant 80 : index
          %get3A_172 = tpu.vector_load %arg13[%get3A_170, %get3A_171] {strides = array<i32>} : memref<80x128xf32, #tpu.memory_space<vmem>>, vector<16xf32>,
          %mul3A_173 = arith.mulf %get3A_172, %broadcast_in_dim3A_130 : vector<16xf32>
          %swap3A_174 = arith.index_cast %add3A_134 : i32 to index
          %swap3A_175 = arith.constant 80 : index
          %swap3A_176 = tpu.vector_load %arg13[%swap3A_174, %swap3A_175] {strides = array<i32>} : memref<80x128xf32, #tpu.memory_space<vmem>>, vector<16xf32>,
          tpu.vector_store %arg13[%swap3A_174, %swap3A_175], %mul3A_173 {strides = array<i32>} : memref<80x128xf32, #tpu.memory_space<vmem>>, vector<16xf32>,
          %get3A_177 = arith.index_cast %add3A_134 : i32 to index
          %get3A_178 = arith.constant 96 : index
          %get3A_179 = tpu.vector_load %arg13[%get3A_177, %get3A_178] {strides = array<i32>} : memref<80x128xf32, #tpu.memory_space<vmem>>, vector<16xf32>,
          %mul3A_180 = arith.mulf %get3A_179, %broadcast_in_dim3A_130 : vector<16xf32>
          %swap3A_181 = arith.index_cast %add3A_134 : i32 to index
          %swap3A_182 = arith.constant 96 : index
          %swap3A_183 = tpu.vector_load %arg13[%swap3A_181, %swap3A_182] {strides = array<i32>} : memref<80x128xf32, #tpu.memory_space<vmem>>, vector<16xf32>,
          tpu.vector_store %arg13[%swap3A_181, %swap3A_182], %mul3A_180 {strides = array<i32>} : memref<80x128xf32, #tpu.memory_space<vmem>>, vector<16xf32>,
          %get3A_184 = arith.index_cast %add3A_134 : i32 to index
          %get3A_185 = arith.constant 112 : index
          %get3A_186 = tpu.vector_load %arg13[%get3A_184, %get3A_185] {strides = array<i32>} : memref<80x128xf32, #tpu.memory_space<vmem>>, vector<16xf32>,
          %mul3A_187 = arith.mulf %get3A_186, %broadcast_in_dim3A_130 : vector<16xf32>
          %swap3A_188 = arith.index_cast %add3A_134 : i32 to index
          %swap3A_189 = arith.constant 112 : index
          %swap3A_190 = tpu.vector_load %arg13[%swap3A_188, %swap3A_189] {strides = array<i32>} : memref<80x128xf32, #tpu.memory_space<vmem>>, vector<16xf32>,
          tpu.vector_store %arg13[%swap3A_188, %swap3A_189], %mul3A_187 {strides = array<i32>} : memref<80x128xf32, #tpu.memory_space<vmem>>, vector<16xf32>,
          %slice3A_191 = vector.extract_strided_slice %div3A_68 {offsets = [2], sizes = [1], strides = [1]} : vector<16xf32> to vector<1xf32>
          %squeeze3A_192 = vector.extract %slice3A_191[0] : f32 from vector<1xf32>
          %broadcast_in_dim3A_193 = vector.broadcast %squeeze3A_192 : f32 to vector<16xf32>
          %mul3A_194 = arith.constant 16 : i32
          %mul3A_195 = arith.muli %scan3A_50, %mul3A_194 : i32
          %add3A_196 = arith.constant 2 : i32
          %add3A_197 = arith.addi %mul3A_195, %add3A_196 : i32
          %get3A_198 = arith.index_cast %add3A_197 : i32 to index
          %get3A_199 = arith.constant 0 : index
          %get3A_200 = tpu.vector_load %arg13[%get3A_198, %get3A_199] {strides = array<i32>} : memref<80x128xf32, #tpu.memory_space<vmem>>, vector<16xf32>,
          %mul3A_201 = arith.mulf %get3A_200, %broadcast_in_dim3A_193 : vector<16xf32>
          %swap3A_202 = arith.index_cast %add3A_197 : i32 to index
          %swap3A_203 = arith.constant 0 : index
          %swap3A_204 = tpu.vector_load %arg13[%swap3A_202, %swap3A_203] {strides = array<i32>} : memref<80x128xf32, #tpu.memory_space<vmem>>, vector<16xf32>,
          tpu.vector_store %arg13[%swap3A_202, %swap3A_203], %mul3A_201 {strides = array<i32>} : memref<80x128xf32, #tpu.memory_space<vmem>>, vector<16xf32>,
          %get3A_205 = arith.index_cast %add3A_197 : i32 to index
          %get3A_206 = arith.constant 16 : index
          %get3A_207 = tpu.vector_load %arg13[%get3A_205, %get3A_206] {strides = array<i32>} : memref<80x128xf32, #tpu.memory_space<vmem>>, vector<16xf32>,
          %mul3A_208 = arith.mulf %get3A_207, %broadcast_in_dim3A_193 : vector<16xf32>
          %swap3A_209 = arith.index_cast %add3A_197 : i32 to index
          %swap3A_210 = arith.constant 16 : index
          %swap3A_211 = tpu.vector_load %arg13[%swap3A_209, %swap3A_210] {strides = array<i32>} : memref<80x128xf32, #tpu.memory_space<vmem>>, vector<16xf32>,
          tpu.vector_store %arg13[%swap3A_209, %swap3A_210], %mul3A_208 {strides = array<i32>} : memref<80x128xf32, #tpu.memory_space<vmem>>, vector<16xf32>,
          %get3A_212 = arith.index_cast %add3A_197 : i32 to index
          %get3A_213 = arith.constant 32 : index
          %get3A_214 = tpu.vector_load %arg13[%get3A_212, %get3A_213] {strides = array<i32>} : memref<80x128xf32, #tpu.memory_space<vmem>>, vector<16xf32>,
          %mul3A_215 = arith.mulf %get3A_214, %broadcast_in_dim3A_193 : vector<16xf32>
          %swap3A_216 = arith.index_cast %add3A_197 : i32 to index
          %swap3A_217 = arith.constant 32 : index
          %swap3A_218 = tpu.vector_load %arg13[%swap3A_216, %swap3A_217] {strides = array<i32>} : memref<80x128xf32, #tpu.memory_space<vmem>>, vector<16xf32>,
          tpu.vector_store %arg13[%swap3A_216, %swap3A_217], %mul3A_215 {strides = array<i32>} : memref<80x128xf32, #tpu.memory_space<vmem>>, vector<16xf32>,
          %get3A_219 = arith.index_cast %add3A_197 : i32 to index
          %get3A_220 = arith.constant 48 : index
          %get3A_221 = tpu.vector_load %arg13[%get3A_219, %get3A_220] {strides = array<i32>} : memref<80x128xf32, #tpu.memory_space<vmem>>, vector<16xf32>,
          %mul3A_222 = arith.mulf %get3A_221, %broadcast_in_dim3A_193 : vector<16xf32>
          %swap3A_223 = arith.index_cast %add3A_197 : i32 to index
          %swap3A_224 = arith.constant 48 : index
          %swap3A_225 = tpu.vector_load %arg13[%swap3A_223, %swap3A_224] {strides = array<i32>} : memref<80x128xf32, #tpu.memory_space<vmem>>, vector<16xf32>,
          tpu.vector_store %arg13[%swap3A_223, %swap3A_224], %mul3A_222 {strides = array<i32>} : memref<80x128xf32, #tpu.memory_space<vmem>>, vector<16xf32>,
          %get3A_226 = arith.index_cast %add3A_197 : i32 to index
          %get3A_227 = arith.constant 64 : index
          %get3A_228 = tpu.vector_load %arg13[%get3A_226, %get3A_227] {strides = array<i32>} : memref<80x128xf32, #tpu.memory_space<vmem>>, vector<16xf32>,
          %mul3A_229 = arith.mulf %get3A_228, %broadcast_in_dim3A_193 : vector<16xf32>
          %swap3A_230 = arith.index_cast %add3A_197 : i32 to index
          %swap3A_231 = arith.constant 64 : index
          %swap3A_232 = tpu.vector_load %arg13[%swap3A_230, %swap3A_231] {strides = array<i32>} : memref<80x128xf32, #tpu.memory_space<vmem>>, vector<16xf32>,
          tpu.vector_store %arg13[%swap3A_230, %swap3A_231], %mul3A_229 {strides = array<i32>} : memref<80x128xf32, #tpu.memory_space<vmem>>, vector<16xf32>,
          %get3A_233 = arith.index_cast %add3A_197 : i32 to index
          %get3A_234 = arith.constant 80 : index
          %get3A_235 = tpu.vector_load %arg13[%get3A_233, %get3A_234] {strides = array<i32>} : memref<80x128xf32, #tpu.memory_space<vmem>>, vector<16xf32>,
          %mul3A_236 = arith.mulf %get3A_235, %broadcast_in_dim3A_193 : vector<16xf32>
          %swap3A_237 = arith.index_cast %add3A_197 : i32 to index
          %swap3A_238 = arith.constant 80 : index
          %swap3A_239 = tpu.vector_load %arg13[%swap3A_237, %swap3A_238] {strides = array<i32>} : memref<80x128xf32, #tpu.memory_space<vmem>>, vector<16xf32>,
          tpu.vector_store %arg13[%swap3A_237, %swap3A_238], %mul3A_236 {strides = array<i32>} : memref<80x128xf32, #tpu.memory_space<vmem>>, vector<16xf32>,
          %get3A_240 = arith.index_cast %add3A_197 : i32 to index
          %get3A_241 = arith.constant 96 : index
          %get3A_242 = tpu.vector_load %arg13[%get3A_240, %get3A_241] {strides = array<i32>} : memref<80x128xf32, #tpu.memory_space<vmem>>, vector<16xf32>,
          %mul3A_243 = arith.mulf %get3A_242, %broadcast_in_dim3A_193 : vector<16xf32>
          %swap3A_244 = arith.index_cast %add3A_197 : i32 to index
          %swap3A_245 = arith.constant 96 : index
          %swap3A_246 = tpu.vector_load %arg13[%swap3A_244, %swap3A_245] {strides = array<i32>} : memref<80x128xf32, #tpu.memory_space<vmem>>, vector<16xf32>,
          tpu.vector_store %arg13[%swap3A_244, %swap3A_245], %mul3A_243 {strides = array<i32>} : memref<80x128xf32, #tpu.memory_space<vmem>>, vector<16xf32>,
          %get3A_247 = arith.index_cast %add3A_197 : i32 to index
          %get3A_248 = arith.constant 112 : index
          %get3A_249 = tpu.vector_load %arg13[%get3A_247, %get3A_248] {strides = array<i32>} : memref<80x128xf32, #tpu.memory_space<vmem>>, vector<16xf32>,
          %mul3A_250 = arith.mulf %get3A_249, %broadcast_in_dim3A_193 : vector<16xf32>
          %swap3A_251 = arith.index_cast %add3A_197 : i32 to index
          %swap3A_252 = arith.constant 112 : index
          %swap3A_253 = tpu.vector_load %arg13[%swap3A_251, %swap3A_252] {strides = array<i32>} : memref<80x128xf32, #tpu.memory_space<vmem>>, vector<16xf32>,
          tpu.vector_store %arg13[%swap3A_251, %swap3A_252], %mul3A_250 {strides = array<i32>} : memref<80x128xf32, #tpu.memory_space<vmem>>, vector<16xf32>,
          %slice3A_254 = vector.extract_strided_slice %div3A_68 {offsets = [3], sizes = [1], strides = [1]} : vector<16xf32> to vector<1xf32>
          %squeeze3A_255 = vector.extract %slice3A_254[0] : f32 from vector<1xf32>
          %broadcast_in_dim3A_256 = vector.broadcast %squeeze3A_255 : f32 to vector<16xf32>
          %mul3A_257 = arith.constant 16 : i32
          %mul3A_258 = arith.muli %scan3A_50, %mul3A_257 : i32
          %add3A_259 = arith.constant 3 : i32
          %add3A_260 = arith.addi %mul3A_258, %add3A_259 : i32
          %get3A_261 = arith.index_cast %add3A_260 : i32 to index
          %get3A_262 = arith.constant 0 : index
          %get3A_263 = tpu.vector_load %arg13[%get3A_261, %get3A_262] {strides = array<i32>} : memref<80x128xf32, #tpu.memory_space<vmem>>, vector<16xf32>,
          %mul3A_264 = arith.mulf %get3A_263, %broadcast_in_dim3A_256 : vector<16xf32>
          %swap3A_265 = arith.index_cast %add3A_260 : i32 to index
          %swap3A_266 = arith.constant 0 : index
          %swap3A_267 = tpu.vector_load %arg13[%swap3A_265, %swap3A_266] {strides = array<i32>} : memref<80x128xf32, #tpu.memory_space<vmem>>, vector<16xf32>,
          tpu.vector_store %arg13[%swap3A_265, %swap3A_266], %mul3A_264 {strides = array<i32>} : memref<80x128xf32, #tpu.memory_space<vmem>>, vector<16xf32>,
          %get3A_268 = arith.index_cast %add3A_260 : i32 to index
          %get3A_269 = arith.constant 16 : index
          %get3A_270 = tpu.vector_load %arg13[%get3A_268, %get3A_269] {strides = array<i32>} : memref<80x128xf32, #tpu.memory_space<vmem>>, vector<16xf32>,
          %mul3A_271 = arith.mulf %get3A_270, %broadcast_in_dim3A_256 : vector<16xf32>
          %swap3A_272 = arith.index_cast %add3A_260 : i32 to index
          %swap3A_273 = arith.constant 16 : index
          %swap3A_274 = tpu.vector_load %arg13[%swap3A_272, %swap3A_273] {strides = array<i32>} : memref<80x128xf32, #tpu.memory_space<vmem>>, vector<16xf32>,
          tpu.vector_store %arg13[%swap3A_272, %swap3A_273], %mul3A_271 {strides = array<i32>} : memref<80x128xf32, #tpu.memory_space<vmem>>, vector<16xf32>,
          %get3A_275 = arith.index_cast %add3A_260 : i32 to index
          %get3A_276 = arith.constant 32 : index
          %get3A_277 = tpu.vector_load %arg13[%get3A_275, %get3A_276] {strides = array<i32>} : memref<80x128xf32, #tpu.memory_space<vmem>>, vector<16xf32>,
          %mul3A_278 = arith.mulf %get3A_277, %broadcast_in_dim3A_256 : vector<16xf32>
          %swap3A_279 = arith.index_cast %add3A_260 : i32 to index
          %swap3A_280 = arith.constant 32 : index
          %swap3A_281 = tpu.vector_load %arg13[%swap3A_279, %swap3A_280] {strides = array<i32>} : memref<80x128xf32, #tpu.memory_space<vmem>>, vector<16xf32>,
          tpu.vector_store %arg13[%swap3A_279, %swap3A_280], %mul3A_278 {strides = array<i32>} : memref<80x128xf32, #tpu.memory_space<vmem>>, vector<16xf32>,
          %get3A_282 = arith.index_cast %add3A_260 : i32 to index
          %get3A_283 = arith.constant 48 : index
          %get3A_284 = tpu.vector_load %arg13[%get3A_282, %get3A_283] {strides = array<i32>} : memref<80x128xf32, #tpu.memory_space<vmem>>, vector<16xf32>,
          %mul3A_285 = arith.mulf %get3A_284, %broadcast_in_dim3A_256 : vector<16xf32>
          %swap3A_286 = arith.index_cast %add3A_260 : i32 to index
          %swap3A_287 = arith.constant 48 : index
          %swap3A_288 = tpu.vector_load %arg13[%swap3A_286, %swap3A_287] {strides = array<i32>} : memref<80x128xf32, #tpu.memory_space<vmem>>, vector<16xf32>,
          tpu.vector_store %arg13[%swap3A_286, %swap3A_287], %mul3A_285 {strides = array<i32>} : memref<80x128xf32, #tpu.memory_space<vmem>>, vector<16xf32>,
          %get3A_289 = arith.index_cast %add3A_260 : i32 to index
          %get3A_290 = arith.constant 64 : index
          %get3A_291 = tpu.vector_load %arg13[%get3A_289, %get3A_290] {strides = array<i32>} : memref<80x128xf32, #tpu.memory_space<vmem>>, vector<16xf32>,
          %mul3A_292 = arith.mulf %get3A_291, %broadcast_in_dim3A_256 : vector<16xf32>
          %swap3A_293 = arith.index_cast %add3A_260 : i32 to index
          %swap3A_294 = arith.constant 64 : index
          %swap3A_295 = tpu.vector_load %arg13[%swap3A_293, %swap3A_294] {strides = array<i32>} : memref<80x128xf32, #tpu.memory_space<vmem>>, vector<16xf32>,
          tpu.vector_store %arg13[%swap3A_293, %swap3A_294], %mul3A_292 {strides = array<i32>} : memref<80x128xf32, #tpu.memory_space<vmem>>, vector<16xf32>,
          %get3A_296 = arith.index_cast %add3A_260 : i32 to index
          %get3A_297 = arith.constant 80 : index
          %get3A_298 = tpu.vector_load %arg13[%get3A_296, %get3A_297] {strides = array<i32>} : memref<80x128xf32, #tpu.memory_space<vmem>>, vector<16xf32>,
          %mul3A_299 = arith.mulf %get3A_298, %broadcast_in_dim3A_256 : vector<16xf32>
          %swap3A_300 = arith.index_cast %add3A_260 : i32 to index
          %swap3A_301 = arith.constant 80 : index
          %swap3A_302 = tpu.vector_load %arg13[%swap3A_300, %swap3A_301] {strides = array<i32>} : memref<80x128xf32, #tpu.memory_space<vmem>>, vector<16xf32>,
          tpu.vector_store %arg13[%swap3A_300, %swap3A_301], %mul3A_299 {strides = array<i32>} : memref<80x128xf32, #tpu.memory_space<vmem>>, vector<16xf32>,
          %get3A_303 = arith.index_cast %add3A_260 : i32 to index
          %get3A_304 = arith.constant 96 : index
          %get3A_305 = tpu.vector_load %arg13[%get3A_303, %get3A_304] {strides = array<i32>} : memref<80x128xf32, #tpu.memory_space<vmem>>, vector<16xf32>,
          %mul3A_306 = arith.mulf %get3A_305, %broadcast_in_dim3A_256 : vector<16xf32>
          %swap3A_307 = arith.index_cast %add3A_260 : i32 to index
          %swap3A_308 = arith.constant 96 : index
          %swap3A_309 = tpu.vector_load %arg13[%swap3A_307, %swap3A_308] {strides = array<i32>} : memref<80x128xf32, #tpu.memory_space<vmem>>, vector<16xf32>,
          tpu.vector_store %arg13[%swap3A_307, %swap3A_308], %mul3A_306 {strides = array<i32>} : memref<80x128xf32, #tpu.memory_space<vmem>>, vector<16xf32>,
          %get3A_310 = arith.index_cast %add3A_260 : i32 to index
          %get3A_311 = arith.constant 112 : index
          %get3A_312 = tpu.vector_load %arg13[%get3A_310, %get3A_311] {strides = array<i32>} : memref<80x128xf32, #tpu.memory_space<vmem>>, vector<16xf32>,
          %mul3A_313 = arith.mulf %get3A_312, %broadcast_in_dim3A_256 : vector<16xf32>
          %swap3A_314 = arith.index_cast %add3A_260 : i32 to index
          %swap3A_315 = arith.constant 112 : index
          %swap3A_316 = tpu.vector_load %arg13[%swap3A_314, %swap3A_315] {strides = array<i32>} : memref<80x128xf32, #tpu.memory_space<vmem>>, vector<16xf32>,
          tpu.vector_store %arg13[%swap3A_314, %swap3A_315], %mul3A_313 {strides = array<i32>} : memref<80x128xf32, #tpu.memory_space<vmem>>, vector<16xf32>,
          %slice3A_317 = vector.extract_strided_slice %div3A_68 {offsets = [4], sizes = [1], strides = [1]} : vector<16xf32> to vector<1xf32>
          %squeeze3A_318 = vector.extract %slice3A_317[0] : f32 from vector<1xf32>
          %broadcast_in_dim3A_319 = vector.broadcast %squeeze3A_318 : f32 to vector<16xf32>
          %mul3A_320 = arith.constant 16 : i32
          %mul3A_321 = arith.muli %scan3A_50, %mul3A_320 : i32
          %add3A_322 = arith.constant 4 : i32
          %add3A_323 = arith.addi %mul3A_321, %add3A_322 : i32
          %get3A_324 = arith.index_cast %add3A_323 : i32 to index
          %get3A_325 = arith.constant 0 : index
          %get3A_326 = tpu.vector_load %arg13[%get3A_324, %get3A_325] {strides = array<i32>} : memref<80x128xf32, #tpu.memory_space<vmem>>, vector<16xf32>,
          %mul3A_327 = arith.mulf %get3A_326, %broadcast_in_dim3A_319 : vector<16xf32>
          %swap3A_328 = arith.index_cast %add3A_323 : i32 to index
          %swap3A_329 = arith.constant 0 : index
          %swap3A_330 = tpu.vector_load %arg13[%swap3A_328, %swap3A_329] {strides = array<i32>} : memref<80x128xf32, #tpu.memory_space<vmem>>, vector<16xf32>,
          tpu.vector_store %arg13[%swap3A_328, %swap3A_329], %mul3A_327 {strides = array<i32>} : memref<80x128xf32, #tpu.memory_space<vmem>>, vector<16xf32>,
          %get3A_331 = arith.index_cast %add3A_323 : i32 to index
          %get3A_332 = arith.constant 16 : index
          %get3A_333 = tpu.vector_load %arg13[%get3A_331, %get3A_332] {strides = array<i32>} : memref<80x128xf32, #tpu.memory_space<vmem>>, vector<16xf32>,
          %mul3A_334 = arith.mulf %get3A_333, %broadcast_in_dim3A_319 : vector<16xf32>
          %swap3A_335 = arith.index_cast %add3A_323 : i32 to index
          %swap3A_336 = arith.constant 16 : index
          %swap3A_337 = tpu.vector_load %arg13[%swap3A_335, %swap3A_336] {strides = array<i32>} : memref<80x128xf32, #tpu.memory_space<vmem>>, vector<16xf32>,
          tpu.vector_store %arg13[%swap3A_335, %swap3A_336], %mul3A_334 {strides = array<i32>} : memref<80x128xf32, #tpu.memory_space<vmem>>, vector<16xf32>,
          %get3A_338 = arith.index_cast %add3A_323 : i32 to index
          %get3A_339 = arith.constant 32 : index
          %get3A_340 = tpu.vector_load %arg13[%get3A_338, %get3A_339] {strides = array<i32>} : memref<80x128xf32, #tpu.memory_space<vmem>>, vector<16xf32>,
          %mul3A_341 = arith.mulf %get3A_340, %broadcast_in_dim3A_319 : vector<16xf32>
          %swap3A_342 = arith.index_cast %add3A_323 : i32 to index
          %swap3A_343 = arith.constant 32 : index
          %swap3A_344 = tpu.vector_load %arg13[%swap3A_342, %swap3A_343] {strides = array<i32>} : memref<80x128xf32, #tpu.memory_space<vmem>>, vector<16xf32>,
          tpu.vector_store %arg13[%swap3A_342, %swap3A_343], %mul3A_341 {strides = array<i32>} : memref<80x128xf32, #tpu.memory_space<vmem>>, vector<16xf32>,
          %get3A_345 = arith.index_cast %add3A_323 : i32 to index
          %get3A_346 = arith.constant 48 : index
          %get3A_347 = tpu.vector_load %arg13[%get3A_345, %get3A_346] {strides = array<i32>} : memref<80x128xf32, #tpu.memory_space<vmem>>, vector<16xf32>,
          %mul3A_348 = arith.mulf %get3A_347, %broadcast_in_dim3A_319 : vector<16xf32>
          %swap3A_349 = arith.index_cast %add3A_323 : i32 to index
          %swap3A_350 = arith.constant 48 : index
          %swap3A_351 = tpu.vector_load %arg13[%swap3A_349, %swap3A_350] {strides = array<i32>} : memref<80x128xf32, #tpu.memory_space<vmem>>, vector<16xf32>,
          tpu.vector_store %arg13[%swap3A_349, %swap3A_350], %mul3A_348 {strides = array<i32>} : memref<80x128xf32, #tpu.memory_space<vmem>>, vector<16xf32>,
          %get3A_352 = arith.index_cast %add3A_323 : i32 to index
          %get3A_353 = arith.constant 64 : index
          %get3A_354 = tpu.vector_load %arg13[%get3A_352, %get3A_353] {strides = array<i32>} : memref<80x128xf32, #tpu.memory_space<vmem>>, vector<16xf32>,
          %mul3A_355 = arith.mulf %get3A_354, %broadcast_in_dim3A_319 : vector<16xf32>
          %swap3A_356 = arith.index_cast %add3A_323 : i32 to index
          %swap3A_357 = arith.constant 64 : index
          %swap3A_358 = tpu.vector_load %arg13[%swap3A_356, %swap3A_357] {strides = array<i32>} : memref<80x128xf32, #tpu.memory_space<vmem>>, vector<16xf32>,
          tpu.vector_store %arg13[%swap3A_356, %swap3A_357], %mul3A_355 {strides = array<i32>} : memref<80x128xf32, #tpu.memory_space<vmem>>, vector<16xf32>,
          %get3A_359 = arith.index_cast %add3A_323 : i32 to index
          %get3A_360 = arith.constant 80 : index
          %get3A_361 = tpu.vector_load %arg13[%get3A_359, %get3A_360] {strides = array<i32>} : memref<80x128xf32, #tpu.memory_space<vmem>>, vector<16xf32>,
          %mul3A_362 = arith.mulf %get3A_361, %broadcast_in_dim3A_319 : vector<16xf32>
          %swap3A_363 = arith.index_cast %add3A_323 : i32 to index
          %swap3A_364 = arith.constant 80 : index
          %swap3A_365 = tpu.vector_load %arg13[%swap3A_363, %swap3A_364] {strides = array<i32>} : memref<80x128xf32, #tpu.memory_space<vmem>>, vector<16xf32>,
          tpu.vector_store %arg13[%swap3A_363, %swap3A_364], %mul3A_362 {strides = array<i32>} : memref<80x128xf32, #tpu.memory_space<vmem>>, vector<16xf32>,
          %get3A_366 = arith.index_cast %add3A_323 : i32 to index
          %get3A_367 = arith.constant 96 : index
          %get3A_368 = tpu.vector_load %arg13[%get3A_366, %get3A_367] {strides = array<i32>} : memref<80x128xf32, #tpu.memory_space<vmem>>, vector<16xf32>,
          %mul3A_369 = arith.mulf %get3A_368, %broadcast_in_dim3A_319 : vector<16xf32>
          %swap3A_370 = arith.index_cast %add3A_323 : i32 to index
          %swap3A_371 = arith.constant 96 : index
          %swap3A_372 = tpu.vector_load %arg13[%swap3A_370, %swap3A_371] {strides = array<i32>} : memref<80x128xf32, #tpu.memory_space<vmem>>, vector<16xf32>,
          tpu.vector_store %arg13[%swap3A_370, %swap3A_371], %mul3A_369 {strides = array<i32>} : memref<80x128xf32, #tpu.memory_space<vmem>>, vector<16xf32>,
          %get3A_373 = arith.index_cast %add3A_323 : i32 to index
          %get3A_374 = arith.constant 112 : index
          %get3A_375 = tpu.vector_load %arg13[%get3A_373, %get3A_374] {strides = array<i32>} : memref<80x128xf32, #tpu.memory_space<vmem>>, vector<16xf32>,
          %mul3A_376 = arith.mulf %get3A_375, %broadcast_in_dim3A_319 : vector<16xf32>
          %swap3A_377 = arith.index_cast %add3A_323 : i32 to index
          %swap3A_378 = arith.constant 112 : index
          %swap3A_379 = tpu.vector_load %arg13[%swap3A_377, %swap3A_378] {strides = array<i32>} : memref<80x128xf32, #tpu.memory_space<vmem>>, vector<16xf32>,
          tpu.vector_store %arg13[%swap3A_377, %swap3A_378], %mul3A_376 {strides = array<i32>} : memref<80x128xf32, #tpu.memory_space<vmem>>, vector<16xf32>,
          %slice3A_380 = vector.extract_strided_slice %div3A_68 {offsets = [5], sizes = [1], strides = [1]} : vector<16xf32> to vector<1xf32>
          %squeeze3A_381 = vector.extract %slice3A_380[0] : f32 from vector<1xf32>
          %broadcast_in_dim3A_382 = vector.broadcast %squeeze3A_381 : f32 to vector<16xf32>
          %mul3A_383 = arith.constant 16 : i32
          %mul3A_384 = arith.muli %scan3A_50, %mul3A_383 : i32
          %add3A_385 = arith.constant 5 : i32
          %add3A_386 = arith.addi %mul3A_384, %add3A_385 : i32
          %get3A_387 = arith.index_cast %add3A_386 : i32 to index
          %get3A_388 = arith.constant 0 : index
          %get3A_389 = tpu.vector_load %arg13[%get3A_387, %get3A_388] {strides = array<i32>} : memref<80x128xf32, #tpu.memory_space<vmem>>, vector<16xf32>,
          %mul3A_390 = arith.mulf %get3A_389, %broadcast_in_dim3A_382 : vector<16xf32>
          %swap3A_391 = arith.index_cast %add3A_386 : i32 to index
          %swap3A_392 = arith.constant 0 : index
          %swap3A_393 = tpu.vector_load %arg13[%swap3A_391, %swap3A_392] {strides = array<i32>} : memref<80x128xf32, #tpu.memory_space<vmem>>, vector<16xf32>,
          tpu.vector_store %arg13[%swap3A_391, %swap3A_392], %mul3A_390 {strides = array<i32>} : memref<80x128xf32, #tpu.memory_space<vmem>>, vector<16xf32>,
          %get3A_394 = arith.index_cast %add3A_386 : i32 to index
          %get3A_395 = arith.constant 16 : index
          %get3A_396 = tpu.vector_load %arg13[%get3A_394, %get3A_395] {strides = array<i32>} : memref<80x128xf32, #tpu.memory_space<vmem>>, vector<16xf32>,
          %mul3A_397 = arith.mulf %get3A_396, %broadcast_in_dim3A_382 : vector<16xf32>
          %swap3A_398 = arith.index_cast %add3A_386 : i32 to index
          %swap3A_399 = arith.constant 16 : index
          %swap3A_400 = tpu.vector_load %arg13[%swap3A_398, %swap3A_399] {strides = array<i32>} : memref<80x128xf32, #tpu.memory_space<vmem>>, vector<16xf32>,
          tpu.vector_store %arg13[%swap3A_398, %swap3A_399], %mul3A_397 {strides = array<i32>} : memref<80x128xf32, #tpu.memory_space<vmem>>, vector<16xf32>,
          %get3A_401 = arith.index_cast %add3A_386 : i32 to index
          %get3A_402 = arith.constant 32 : index
          %get3A_403 = tpu.vector_load %arg13[%get3A_401, %get3A_402] {strides = array<i32>} : memref<80x128xf32, #tpu.memory_space<vmem>>, vector<16xf32>,
          %mul3A_404 = arith.mulf %get3A_403, %broadcast_in_dim3A_382 : vector<16xf32>
          %swap3A_405 = arith.index_cast %add3A_386 : i32 to index
          %swap3A_406 = arith.constant 32 : index
          %swap3A_407 = tpu.vector_load %arg13[%swap3A_405, %swap3A_406] {strides = array<i32>} : memref<80x128xf32, #tpu.memory_space<vmem>>, vector<16xf32>,
          tpu.vector_store %arg13[%swap3A_405, %swap3A_406], %mul3A_404 {strides = array<i32>} : memref<80x128xf32, #tpu.memory_space<vmem>>, vector<16xf32>,
          %get3A_408 = arith.index_cast %add3A_386 : i32 to index
          %get3A_409 = arith.constant 48 : index
          %get3A_410 = tpu.vector_load %arg13[%get3A_408, %get3A_409] {strides = array<i32>} : memref<80x128xf32, #tpu.memory_space<vmem>>, vector<16xf32>,
          %mul3A_411 = arith.mulf %get3A_410, %broadcast_in_dim3A_382 : vector<16xf32>
          %swap3A_412 = arith.index_cast %add3A_386 : i32 to index
          %swap3A_413 = arith.constant 48 : index
          %swap3A_414 = tpu.vector_load %arg13[%swap3A_412, %swap3A_413] {strides = array<i32>} : memref<80x128xf32, #tpu.memory_space<vmem>>, vector<16xf32>,
          tpu.vector_store %arg13[%swap3A_412, %swap3A_413], %mul3A_411 {strides = array<i32>} : memref<80x128xf32, #tpu.memory_space<vmem>>, vector<16xf32>,
          %get3A_415 = arith.index_cast %add3A_386 : i32 to index
          %get3A_416 = arith.constant 64 : index
          %get3A_417 = tpu.vector_load %arg13[%get3A_415, %get3A_416] {strides = array<i32>} : memref<80x128xf32, #tpu.memory_space<vmem>>, vector<16xf32>,
          %mul3A_418 = arith.mulf %get3A_417, %broadcast_in_dim3A_382 : vector<16xf32>
          %swap3A_419 = arith.index_cast %add3A_386 : i32 to index
          %swap3A_420 = arith.constant 64 : index
          %swap3A_421 = tpu.vector_load %arg13[%swap3A_419, %swap3A_420] {strides = array<i32>} : memref<80x128xf32, #tpu.memory_space<vmem>>, vector<16xf32>,
          tpu.vector_store %arg13[%swap3A_419, %swap3A_420], %mul3A_418 {strides = array<i32>} : memref<80x128xf32, #tpu.memory_space<vmem>>, vector<16xf32>,
          %get3A_422 = arith.index_cast %add3A_386 : i32 to index
          %get3A_423 = arith.constant 80 : index
          %get3A_424 = tpu.vector_load %arg13[%get3A_422, %get3A_423] {strides = array<i32>} : memref<80x128xf32, #tpu.memory_space<vmem>>, vector<16xf32>,
          %mul3A_425 = arith.mulf %get3A_424, %broadcast_in_dim3A_382 : vector<16xf32>
          %swap3A_426 = arith.index_cast %add3A_386 : i32 to index
          %swap3A_427 = arith.constant 80 : index
          %swap3A_428 = tpu.vector_load %arg13[%swap3A_426, %swap3A_427] {strides = array<i32>} : memref<80x128xf32, #tpu.memory_space<vmem>>, vector<16xf32>,
          tpu.vector_store %arg13[%swap3A_426, %swap3A_427], %mul3A_425 {strides = array<i32>} : memref<80x128xf32, #tpu.memory_space<vmem>>, vector<16xf32>,
          %get3A_429 = arith.index_cast %add3A_386 : i32 to index
          %get3A_430 = arith.constant 96 : index
          %get3A_431 = tpu.vector_load %arg13[%get3A_429, %get3A_430] {strides = array<i32>} : memref<80x128xf32, #tpu.memory_space<vmem>>, vector<16xf32>,
          %mul3A_432 = arith.mulf %get3A_431, %broadcast_in_dim3A_382 : vector<16xf32>
          %swap3A_433 = arith.index_cast %add3A_386 : i32 to index
          %swap3A_434 = arith.constant 96 : index
          %swap3A_435 = tpu.vector_load %arg13[%swap3A_433, %swap3A_434] {strides = array<i32>} : memref<80x128xf32, #tpu.memory_space<vmem>>, vector<16xf32>,
          tpu.vector_store %arg13[%swap3A_433, %swap3A_434], %mul3A_432 {strides = array<i32>} : memref<80x128xf32, #tpu.memory_space<vmem>>, vector<16xf32>,
          %get3A_436 = arith.index_cast %add3A_386 : i32 to index
          %get3A_437 = arith.constant 112 : index
          %get3A_438 = tpu.vector_load %arg13[%get3A_436, %get3A_437] {strides = array<i32>} : memref<80x128xf32, #tpu.memory_space<vmem>>, vector<16xf32>,
          %mul3A_439 = arith.mulf %get3A_438, %broadcast_in_dim3A_382 : vector<16xf32>
          %swap3A_440 = arith.index_cast %add3A_386 : i32 to index
          %swap3A_441 = arith.constant 112 : index
          %swap3A_442 = tpu.vector_load %arg13[%swap3A_440, %swap3A_441] {strides = array<i32>} : memref<80x128xf32, #tpu.memory_space<vmem>>, vector<16xf32>,
          tpu.vector_store %arg13[%swap3A_440, %swap3A_441], %mul3A_439 {strides = array<i32>} : memref<80x128xf32, #tpu.memory_space<vmem>>, vector<16xf32>,
          %slice3A_443 = vector.extract_strided_slice %div3A_68 {offsets = [6], sizes = [1], strides = [1]} : vector<16xf32> to vector<1xf32>
          %squeeze3A_444 = vector.extract %slice3A_443[0] : f32 from vector<1xf32>
          %broadcast_in_dim3A_445 = vector.broadcast %squeeze3A_444 : f32 to vector<16xf32>
          %mul3A_446 = arith.constant 16 : i32
          %mul3A_447 = arith.muli %scan3A_50, %mul3A_446 : i32
          %add3A_448 = arith.constant 6 : i32
          %add3A_449 = arith.addi %mul3A_447, %add3A_448 : i32
          %get3A_450 = arith.index_cast %add3A_449 : i32 to index
          %get3A_451 = arith.constant 0 : index
          %get3A_452 = tpu.vector_load %arg13[%get3A_450, %get3A_451] {strides = array<i32>} : memref<80x128xf32, #tpu.memory_space<vmem>>, vector<16xf32>,
          %mul3A_453 = arith.mulf %get3A_452, %broadcast_in_dim3A_445 : vector<16xf32>
          %swap3A_454 = arith.index_cast %add3A_449 : i32 to index
          %swap3A_455 = arith.constant 0 : index
          %swap3A_456 = tpu.vector_load %arg13[%swap3A_454, %swap3A_455] {strides = array<i32>} : memref<80x128xf32, #tpu.memory_space<vmem>>, vector<16xf32>,
          tpu.vector_store %arg13[%swap3A_454, %swap3A_455], %mul3A_453 {strides = array<i32>} : memref<80x128xf32, #tpu.memory_space<vmem>>, vector<16xf32>,
          %get3A_457 = arith.index_cast %add3A_449 : i32 to index
          %get3A_458 = arith.constant 16 : index
          %get3A_459 = tpu.vector_load %arg13[%get3A_457, %get3A_458] {strides = array<i32>} : memref<80x128xf32, #tpu.memory_space<vmem>>, vector<16xf32>,
          %mul3A_460 = arith.mulf %get3A_459, %broadcast_in_dim3A_445 : vector<16xf32>
          %swap3A_461 = arith.index_cast %add3A_449 : i32 to index
          %swap3A_462 = arith.constant 16 : index
          %swap3A_463 = tpu.vector_load %arg13[%swap3A_461, %swap3A_462] {strides = array<i32>} : memref<80x128xf32, #tpu.memory_space<vmem>>, vector<16xf32>,
          tpu.vector_store %arg13[%swap3A_461, %swap3A_462], %mul3A_460 {strides = array<i32>} : memref<80x128xf32, #tpu.memory_space<vmem>>, vector<16xf32>,
          %get3A_464 = arith.index_cast %add3A_449 : i32 to index
          %get3A_465 = arith.constant 32 : index
          %get3A_466 = tpu.vector_load %arg13[%get3A_464, %get3A_465] {strides = array<i32>} : memref<80x128xf32, #tpu.memory_space<vmem>>, vector<16xf32>,
          %mul3A_467 = arith.mulf %get3A_466, %broadcast_in_dim3A_445 : vector<16xf32>
          %swap3A_468 = arith.index_cast %add3A_449 : i32 to index
          %swap3A_469 = arith.constant 32 : index
          %swap3A_470 = tpu.vector_load %arg13[%swap3A_468, %swap3A_469] {strides = array<i32>} : memref<80x128xf32, #tpu.memory_space<vmem>>, vector<16xf32>,
          tpu.vector_store %arg13[%swap3A_468, %swap3A_469], %mul3A_467 {strides = array<i32>} : memref<80x128xf32, #tpu.memory_space<vmem>>, vector<16xf32>,
          %get3A_471 = arith.index_cast %add3A_449 : i32 to index
          %get3A_472 = arith.constant 48 : index
          %get3A_473 = tpu.vector_load %arg13[%get3A_471, %get3A_472] {strides = array<i32>} : memref<80x128xf32, #tpu.memory_space<vmem>>, vector<16xf32>,
          %mul3A_474 = arith.mulf %get3A_473, %broadcast_in_dim3A_445 : vector<16xf32>
          %swap3A_475 = arith.index_cast %add3A_449 : i32 to index
          %swap3A_476 = arith.constant 48 : index
          %swap3A_477 = tpu.vector_load %arg13[%swap3A_475, %swap3A_476] {strides = array<i32>} : memref<80x128xf32, #tpu.memory_space<vmem>>, vector<16xf32>,
          tpu.vector_store %arg13[%swap3A_475, %swap3A_476], %mul3A_474 {strides = array<i32>} : memref<80x128xf32, #tpu.memory_space<vmem>>, vector<16xf32>,
          %get3A_478 = arith.index_cast %add3A_449 : i32 to index
          %get3A_479 = arith.constant 64 : index
          %get3A_480 = tpu.vector_load %arg13[%get3A_478, %get3A_479] {strides = array<i32>} : memref<80x128xf32, #tpu.memory_space<vmem>>, vector<16xf32>,
          %mul3A_481 = arith.mulf %get3A_480, %broadcast_in_dim3A_445 : vector<16xf32>
          %swap3A_482 = arith.index_cast %add3A_449 : i32 to index
          %swap3A_483 = arith.constant 64 : index
          %swap3A_484 = tpu.vector_load %arg13[%swap3A_482, %swap3A_483] {strides = array<i32>} : memref<80x128xf32, #tpu.memory_space<vmem>>, vector<16xf32>,
          tpu.vector_store %arg13[%swap3A_482, %swap3A_483], %mul3A_481 {strides = array<i32>} : memref<80x128xf32, #tpu.memory_space<vmem>>, vector<16xf32>,
          %get3A_485 = arith.index_cast %add3A_449 : i32 to index
          %get3A_486 = arith.constant 80 : index
          %get3A_487 = tpu.vector_load %arg13[%get3A_485, %get3A_486] {strides = array<i32>} : memref<80x128xf32, #tpu.memory_space<vmem>>, vector<16xf32>,
          %mul3A_488 = arith.mulf %get3A_487, %broadcast_in_dim3A_445 : vector<16xf32>
          %swap3A_489 = arith.index_cast %add3A_449 : i32 to index
          %swap3A_490 = arith.constant 80 : index
          %swap3A_491 = tpu.vector_load %arg13[%swap3A_489, %swap3A_490] {strides = array<i32>} : memref<80x128xf32, #tpu.memory_space<vmem>>, vector<16xf32>,
          tpu.vector_store %arg13[%swap3A_489, %swap3A_490], %mul3A_488 {strides = array<i32>} : memref<80x128xf32, #tpu.memory_space<vmem>>, vector<16xf32>,
          %get3A_492 = arith.index_cast %add3A_449 : i32 to index
          %get3A_493 = arith.constant 96 : index
          %get3A_494 = tpu.vector_load %arg13[%get3A_492, %get3A_493] {strides = array<i32>} : memref<80x128xf32, #tpu.memory_space<vmem>>, vector<16xf32>,
          %mul3A_495 = arith.mulf %get3A_494, %broadcast_in_dim3A_445 : vector<16xf32>
          %swap3A_496 = arith.index_cast %add3A_449 : i32 to index
          %swap3A_497 = arith.constant 96 : index
          %swap3A_498 = tpu.vector_load %arg13[%swap3A_496, %swap3A_497] {strides = array<i32>} : memref<80x128xf32, #tpu.memory_space<vmem>>, vector<16xf32>,
          tpu.vector_store %arg13[%swap3A_496, %swap3A_497], %mul3A_495 {strides = array<i32>} : memref<80x128xf32, #tpu.memory_space<vmem>>, vector<16xf32>,
          %get3A_499 = arith.index_cast %add3A_449 : i32 to index
          %get3A_500 = arith.constant 112 : index
          %get3A_501 = tpu.vector_load %arg13[%get3A_499, %get3A_500] {strides = array<i32>} : memref<80x128xf32, #tpu.memory_space<vmem>>, vector<16xf32>,
          %mul3A_502 = arith.mulf %get3A_501, %broadcast_in_dim3A_445 : vector<16xf32>
          %swap3A_503 = arith.index_cast %add3A_449 : i32 to index
          %swap3A_504 = arith.constant 112 : index
          %swap3A_505 = tpu.vector_load %arg13[%swap3A_503, %swap3A_504] {strides = array<i32>} : memref<80x128xf32, #tpu.memory_space<vmem>>, vector<16xf32>,
          tpu.vector_store %arg13[%swap3A_503, %swap3A_504], %mul3A_502 {strides = array<i32>} : memref<80x128xf32, #tpu.memory_space<vmem>>, vector<16xf32>,
          %slice3A_506 = vector.extract_strided_slice %div3A_68 {offsets = [7], sizes = [1], strides = [1]} : vector<16xf32> to vector<1xf32>
          %squeeze3A_507 = vector.extract %slice3A_506[0] : f32 from vector<1xf32>
          %broadcast_in_dim3A_508 = vector.broadcast %squeeze3A_507 : f32 to vector<16xf32>
          %mul3A_509 = arith.constant 16 : i32
          %mul3A_510 = arith.muli %scan3A_50, %mul3A_509 : i32
          %add3A_511 = arith.constant 7 : i32
          %add3A_512 = arith.addi %mul3A_510, %add3A_511 : i32
          %get3A_513 = arith.index_cast %add3A_512 : i32 to index
          %get3A_514 = arith.constant 0 : index
          %get3A_515 = tpu.vector_load %arg13[%get3A_513, %get3A_514] {strides = array<i32>} : memref<80x128xf32, #tpu.memory_space<vmem>>, vector<16xf32>,
          %mul3A_516 = arith.mulf %get3A_515, %broadcast_in_dim3A_508 : vector<16xf32>
          %swap3A_517 = arith.index_cast %add3A_512 : i32 to index
          %swap3A_518 = arith.constant 0 : index
          %swap3A_519 = tpu.vector_load %arg13[%swap3A_517, %swap3A_518] {strides = array<i32>} : memref<80x128xf32, #tpu.memory_space<vmem>>, vector<16xf32>,
          tpu.vector_store %arg13[%swap3A_517, %swap3A_518], %mul3A_516 {strides = array<i32>} : memref<80x128xf32, #tpu.memory_space<vmem>>, vector<16xf32>,
          %get3A_520 = arith.index_cast %add3A_512 : i32 to index
          %get3A_521 = arith.constant 16 : index
          %get3A_522 = tpu.vector_load %arg13[%get3A_520, %get3A_521] {strides = array<i32>} : memref<80x128xf32, #tpu.memory_space<vmem>>, vector<16xf32>,
          %mul3A_523 = arith.mulf %get3A_522, %broadcast_in_dim3A_508 : vector<16xf32>
          %swap3A_524 = arith.index_cast %add3A_512 : i32 to index
          %swap3A_525 = arith.constant 16 : index
          %swap3A_526 = tpu.vector_load %arg13[%swap3A_524, %swap3A_525] {strides = array<i32>} : memref<80x128xf32, #tpu.memory_space<vmem>>, vector<16xf32>,
          tpu.vector_store %arg13[%swap3A_524, %swap3A_525], %mul3A_523 {strides = array<i32>} : memref<80x128xf32, #tpu.memory_space<vmem>>, vector<16xf32>,
          %get3A_527 = arith.index_cast %add3A_512 : i32 to index
          %get3A_528 = arith.constant 32 : index
          %get3A_529 = tpu.vector_load %arg13[%get3A_527, %get3A_528] {strides = array<i32>} : memref<80x128xf32, #tpu.memory_space<vmem>>, vector<16xf32>,
          %mul3A_530 = arith.mulf %get3A_529, %broadcast_in_dim3A_508 : vector<16xf32>
          %swap3A_531 = arith.index_cast %add3A_512 : i32 to index
          %swap3A_532 = arith.constant 32 : index
          %swap3A_533 = tpu.vector_load %arg13[%swap3A_531, %swap3A_532] {strides = array<i32>} : memref<80x128xf32, #tpu.memory_space<vmem>>, vector<16xf32>,
          tpu.vector_store %arg13[%swap3A_531, %swap3A_532], %mul3A_530 {strides = array<i32>} : memref<80x128xf32, #tpu.memory_space<vmem>>, vector<16xf32>,
          %get3A_534 = arith.index_cast %add3A_512 : i32 to index
          %get3A_535 = arith.constant 48 : index
          %get3A_536 = tpu.vector_load %arg13[%get3A_534, %get3A_535] {strides = array<i32>} : memref<80x128xf32, #tpu.memory_space<vmem>>, vector<16xf32>,
          %mul3A_537 = arith.mulf %get3A_536, %broadcast_in_dim3A_508 : vector<16xf32>
          %swap3A_538 = arith.index_cast %add3A_512 : i32 to index
          %swap3A_539 = arith.constant 48 : index
          %swap3A_540 = tpu.vector_load %arg13[%swap3A_538, %swap3A_539] {strides = array<i32>} : memref<80x128xf32, #tpu.memory_space<vmem>>, vector<16xf32>,
          tpu.vector_store %arg13[%swap3A_538, %swap3A_539], %mul3A_537 {strides = array<i32>} : memref<80x128xf32, #tpu.memory_space<vmem>>, vector<16xf32>,
          %get3A_541 = arith.index_cast %add3A_512 : i32 to index
          %get3A_542 = arith.constant 64 : index
          %get3A_543 = tpu.vector_load %arg13[%get3A_541, %get3A_542] {strides = array<i32>} : memref<80x128xf32, #tpu.memory_space<vmem>>, vector<16xf32>,
          %mul3A_544 = arith.mulf %get3A_543, %broadcast_in_dim3A_508 : vector<16xf32>
          %swap3A_545 = arith.index_cast %add3A_512 : i32 to index
          %swap3A_546 = arith.constant 64 : index
          %swap3A_547 = tpu.vector_load %arg13[%swap3A_545, %swap3A_546] {strides = array<i32>} : memref<80x128xf32, #tpu.memory_space<vmem>>, vector<16xf32>,
          tpu.vector_store %arg13[%swap3A_545, %swap3A_546], %mul3A_544 {strides = array<i32>} : memref<80x128xf32, #tpu.memory_space<vmem>>, vector<16xf32>,
          %get3A_548 = arith.index_cast %add3A_512 : i32 to index
          %get3A_549 = arith.constant 80 : index
          %get3A_550 = tpu.vector_load %arg13[%get3A_548, %get3A_549] {strides = array<i32>} : memref<80x128xf32, #tpu.memory_space<vmem>>, vector<16xf32>,
          %mul3A_551 = arith.mulf %get3A_550, %broadcast_in_dim3A_508 : vector<16xf32>
          %swap3A_552 = arith.index_cast %add3A_512 : i32 to index
          %swap3A_553 = arith.constant 80 : index
          %swap3A_554 = tpu.vector_load %arg13[%swap3A_552, %swap3A_553] {strides = array<i32>} : memref<80x128xf32, #tpu.memory_space<vmem>>, vector<16xf32>,
          tpu.vector_store %arg13[%swap3A_552, %swap3A_553], %mul3A_551 {strides = array<i32>} : memref<80x128xf32, #tpu.memory_space<vmem>>, vector<16xf32>,
          %get3A_555 = arith.index_cast %add3A_512 : i32 to index
          %get3A_556 = arith.constant 96 : index
          %get3A_557 = tpu.vector_load %arg13[%get3A_555, %get3A_556] {strides = array<i32>} : memref<80x128xf32, #tpu.memory_space<vmem>>, vector<16xf32>,
          %mul3A_558 = arith.mulf %get3A_557, %broadcast_in_dim3A_508 : vector<16xf32>
          %swap3A_559 = arith.index_cast %add3A_512 : i32 to index
          %swap3A_560 = arith.constant 96 : index
          %swap3A_561 = tpu.vector_load %arg13[%swap3A_559, %swap3A_560] {strides = array<i32>} : memref<80x128xf32, #tpu.memory_space<vmem>>, vector<16xf32>,
          tpu.vector_store %arg13[%swap3A_559, %swap3A_560], %mul3A_558 {strides = array<i32>} : memref<80x128xf32, #tpu.memory_space<vmem>>, vector<16xf32>,
          %get3A_562 = arith.index_cast %add3A_512 : i32 to index
          %get3A_563 = arith.constant 112 : index
          %get3A_564 = tpu.vector_load %arg13[%get3A_562, %get3A_563] {strides = array<i32>} : memref<80x128xf32, #tpu.memory_space<vmem>>, vector<16xf32>,
          %mul3A_565 = arith.mulf %get3A_564, %broadcast_in_dim3A_508 : vector<16xf32>
          %swap3A_566 = arith.index_cast %add3A_512 : i32 to index
          %swap3A_567 = arith.constant 112 : index
          %swap3A_568 = tpu.vector_load %arg13[%swap3A_566, %swap3A_567] {strides = array<i32>} : memref<80x128xf32, #tpu.memory_space<vmem>>, vector<16xf32>,
          tpu.vector_store %arg13[%swap3A_566, %swap3A_567], %mul3A_565 {strides = array<i32>} : memref<80x128xf32, #tpu.memory_space<vmem>>, vector<16xf32>,
          %slice3A_569 = vector.extract_strided_slice %div3A_68 {offsets = [8], sizes = [1], strides = [1]} : vector<16xf32> to vector<1xf32>
          %squeeze3A_570 = vector.extract %slice3A_569[0] : f32 from vector<1xf32>
          %broadcast_in_dim3A_571 = vector.broadcast %squeeze3A_570 : f32 to vector<16xf32>
          %mul3A_572 = arith.constant 16 : i32
          %mul3A_573 = arith.muli %scan3A_50, %mul3A_572 : i32
          %add3A_574 = arith.constant 8 : i32
          %add3A_575 = arith.addi %mul3A_573, %add3A_574 : i32
          %get3A_576 = arith.index_cast %add3A_575 : i32 to index
          %get3A_577 = arith.constant 0 : index
          %get3A_578 = tpu.vector_load %arg13[%get3A_576, %get3A_577] {strides = array<i32>} : memref<80x128xf32, #tpu.memory_space<vmem>>, vector<16xf32>,
          %mul3A_579 = arith.mulf %get3A_578, %broadcast_in_dim3A_571 : vector<16xf32>
          %swap3A_580 = arith.index_cast %add3A_575 : i32 to index
          %swap3A_581 = arith.constant 0 : index
          %swap3A_582 = tpu.vector_load %arg13[%swap3A_580, %swap3A_581] {strides = array<i32>} : memref<80x128xf32, #tpu.memory_space<vmem>>, vector<16xf32>,
          tpu.vector_store %arg13[%swap3A_580, %swap3A_581], %mul3A_579 {strides = array<i32>} : memref<80x128xf32, #tpu.memory_space<vmem>>, vector<16xf32>,
          %get3A_583 = arith.index_cast %add3A_575 : i32 to index
          %get3A_584 = arith.constant 16 : index
          %get3A_585 = tpu.vector_load %arg13[%get3A_583, %get3A_584] {strides = array<i32>} : memref<80x128xf32, #tpu.memory_space<vmem>>, vector<16xf32>,
          %mul3A_586 = arith.mulf %get3A_585, %broadcast_in_dim3A_571 : vector<16xf32>
          %swap3A_587 = arith.index_cast %add3A_575 : i32 to index
          %swap3A_588 = arith.constant 16 : index
          %swap3A_589 = tpu.vector_load %arg13[%swap3A_587, %swap3A_588] {strides = array<i32>} : memref<80x128xf32, #tpu.memory_space<vmem>>, vector<16xf32>,
          tpu.vector_store %arg13[%swap3A_587, %swap3A_588], %mul3A_586 {strides = array<i32>} : memref<80x128xf32, #tpu.memory_space<vmem>>, vector<16xf32>,
          %get3A_590 = arith.index_cast %add3A_575 : i32 to index
          %get3A_591 = arith.constant 32 : index
          %get3A_592 = tpu.vector_load %arg13[%get3A_590, %get3A_591] {strides = array<i32>} : memref<80x128xf32, #tpu.memory_space<vmem>>, vector<16xf32>,
          %mul3A_593 = arith.mulf %get3A_592, %broadcast_in_dim3A_571 : vector<16xf32>
          %swap3A_594 = arith.index_cast %add3A_575 : i32 to index
          %swap3A_595 = arith.constant 32 : index
          %swap3A_596 = tpu.vector_load %arg13[%swap3A_594, %swap3A_595] {strides = array<i32>} : memref<80x128xf32, #tpu.memory_space<vmem>>, vector<16xf32>,
          tpu.vector_store %arg13[%swap3A_594, %swap3A_595], %mul3A_593 {strides = array<i32>} : memref<80x128xf32, #tpu.memory_space<vmem>>, vector<16xf32>,
          %get3A_597 = arith.index_cast %add3A_575 : i32 to index
          %get3A_598 = arith.constant 48 : index
          %get3A_599 = tpu.vector_load %arg13[%get3A_597, %get3A_598] {strides = array<i32>} : memref<80x128xf32, #tpu.memory_space<vmem>>, vector<16xf32>,
          %mul3A_600 = arith.mulf %get3A_599, %broadcast_in_dim3A_571 : vector<16xf32>
          %swap3A_601 = arith.index_cast %add3A_575 : i32 to index
          %swap3A_602 = arith.constant 48 : index
          %swap3A_603 = tpu.vector_load %arg13[%swap3A_601, %swap3A_602] {strides = array<i32>} : memref<80x128xf32, #tpu.memory_space<vmem>>, vector<16xf32>,
          tpu.vector_store %arg13[%swap3A_601, %swap3A_602], %mul3A_600 {strides = array<i32>} : memref<80x128xf32, #tpu.memory_space<vmem>>, vector<16xf32>,
          %get3A_604 = arith.index_cast %add3A_575 : i32 to index
          %get3A_605 = arith.constant 64 : index
          %get3A_606 = tpu.vector_load %arg13[%get3A_604, %get3A_605] {strides = array<i32>} : memref<80x128xf32, #tpu.memory_space<vmem>>, vector<16xf32>,
          %mul3A_607 = arith.mulf %get3A_606, %broadcast_in_dim3A_571 : vector<16xf32>
          %swap3A_608 = arith.index_cast %add3A_575 : i32 to index
          %swap3A_609 = arith.constant 64 : index
          %swap3A_610 = tpu.vector_load %arg13[%swap3A_608, %swap3A_609] {strides = array<i32>} : memref<80x128xf32, #tpu.memory_space<vmem>>, vector<16xf32>,
          tpu.vector_store %arg13[%swap3A_608, %swap3A_609], %mul3A_607 {strides = array<i32>} : memref<80x128xf32, #tpu.memory_space<vmem>>, vector<16xf32>,
          %get3A_611 = arith.index_cast %add3A_575 : i32 to index
          %get3A_612 = arith.constant 80 : index
          %get3A_613 = tpu.vector_load %arg13[%get3A_611, %get3A_612] {strides = array<i32>} : memref<80x128xf32, #tpu.memory_space<vmem>>, vector<16xf32>,
          %mul3A_614 = arith.mulf %get3A_613, %broadcast_in_dim3A_571 : vector<16xf32>
          %swap3A_615 = arith.index_cast %add3A_575 : i32 to index
          %swap3A_616 = arith.constant 80 : index
          %swap3A_617 = tpu.vector_load %arg13[%swap3A_615, %swap3A_616] {strides = array<i32>} : memref<80x128xf32, #tpu.memory_space<vmem>>, vector<16xf32>,
          tpu.vector_store %arg13[%swap3A_615, %swap3A_616], %mul3A_614 {strides = array<i32>} : memref<80x128xf32, #tpu.memory_space<vmem>>, vector<16xf32>,
          %get3A_618 = arith.index_cast %add3A_575 : i32 to index
          %get3A_619 = arith.constant 96 : index
          %get3A_620 = tpu.vector_load %arg13[%get3A_618, %get3A_619] {strides = array<i32>} : memref<80x128xf32, #tpu.memory_space<vmem>>, vector<16xf32>,
          %mul3A_621 = arith.mulf %get3A_620, %broadcast_in_dim3A_571 : vector<16xf32>
          %swap3A_622 = arith.index_cast %add3A_575 : i32 to index
          %swap3A_623 = arith.constant 96 : index
          %swap3A_624 = tpu.vector_load %arg13[%swap3A_622, %swap3A_623] {strides = array<i32>} : memref<80x128xf32, #tpu.memory_space<vmem>>, vector<16xf32>,
          tpu.vector_store %arg13[%swap3A_622, %swap3A_623], %mul3A_621 {strides = array<i32>} : memref<80x128xf32, #tpu.memory_space<vmem>>, vector<16xf32>,
          %get3A_625 = arith.index_cast %add3A_575 : i32 to index
          %get3A_626 = arith.constant 112 : index
          %get3A_627 = tpu.vector_load %arg13[%get3A_625, %get3A_626] {strides = array<i32>} : memref<80x128xf32, #tpu.memory_space<vmem>>, vector<16xf32>,
          %mul3A_628 = arith.mulf %get3A_627, %broadcast_in_dim3A_571 : vector<16xf32>
          %swap3A_629 = arith.index_cast %add3A_575 : i32 to index
          %swap3A_630 = arith.constant 112 : index
          %swap3A_631 = tpu.vector_load %arg13[%swap3A_629, %swap3A_630] {strides = array<i32>} : memref<80x128xf32, #tpu.memory_space<vmem>>, vector<16xf32>,
          tpu.vector_store %arg13[%swap3A_629, %swap3A_630], %mul3A_628 {strides = array<i32>} : memref<80x128xf32, #tpu.memory_space<vmem>>, vector<16xf32>,
          %slice3A_632 = vector.extract_strided_slice %div3A_68 {offsets = [9], sizes = [1], strides = [1]} : vector<16xf32> to vector<1xf32>
          %squeeze3A_633 = vector.extract %slice3A_632[0] : f32 from vector<1xf32>
          %broadcast_in_dim3A_634 = vector.broadcast %squeeze3A_633 : f32 to vector<16xf32>
          %mul3A_635 = arith.constant 16 : i32
          %mul3A_636 = arith.muli %scan3A_50, %mul3A_635 : i32
          %add3A_637 = arith.constant 9 : i32
          %add3A_638 = arith.addi %mul3A_636, %add3A_637 : i32
          %get3A_639 = arith.index_cast %add3A_638 : i32 to index
          %get3A_640 = arith.constant 0 : index
          %get3A_641 = tpu.vector_load %arg13[%get3A_639, %get3A_640] {strides = array<i32>} : memref<80x128xf32, #tpu.memory_space<vmem>>, vector<16xf32>,
          %mul3A_642 = arith.mulf %get3A_641, %broadcast_in_dim3A_634 : vector<16xf32>
          %swap3A_643 = arith.index_cast %add3A_638 : i32 to index
          %swap3A_644 = arith.constant 0 : index
          %swap3A_645 = tpu.vector_load %arg13[%swap3A_643, %swap3A_644] {strides = array<i32>} : memref<80x128xf32, #tpu.memory_space<vmem>>, vector<16xf32>,
          tpu.vector_store %arg13[%swap3A_643, %swap3A_644], %mul3A_642 {strides = array<i32>} : memref<80x128xf32, #tpu.memory_space<vmem>>, vector<16xf32>,
          %get3A_646 = arith.index_cast %add3A_638 : i32 to index
          %get3A_647 = arith.constant 16 : index
          %get3A_648 = tpu.vector_load %arg13[%get3A_646, %get3A_647] {strides = array<i32>} : memref<80x128xf32, #tpu.memory_space<vmem>>, vector<16xf32>,
          %mul3A_649 = arith.mulf %get3A_648, %broadcast_in_dim3A_634 : vector<16xf32>
          %swap3A_650 = arith.index_cast %add3A_638 : i32 to index
          %swap3A_651 = arith.constant 16 : index
          %swap3A_652 = tpu.vector_load %arg13[%swap3A_650, %swap3A_651] {strides = array<i32>} : memref<80x128xf32, #tpu.memory_space<vmem>>, vector<16xf32>,
          tpu.vector_store %arg13[%swap3A_650, %swap3A_651], %mul3A_649 {strides = array<i32>} : memref<80x128xf32, #tpu.memory_space<vmem>>, vector<16xf32>,
          %get3A_653 = arith.index_cast %add3A_638 : i32 to index
          %get3A_654 = arith.constant 32 : index
          %get3A_655 = tpu.vector_load %arg13[%get3A_653, %get3A_654] {strides = array<i32>} : memref<80x128xf32, #tpu.memory_space<vmem>>, vector<16xf32>,
          %mul3A_656 = arith.mulf %get3A_655, %broadcast_in_dim3A_634 : vector<16xf32>
          %swap3A_657 = arith.index_cast %add3A_638 : i32 to index
          %swap3A_658 = arith.constant 32 : index
          %swap3A_659 = tpu.vector_load %arg13[%swap3A_657, %swap3A_658] {strides = array<i32>} : memref<80x128xf32, #tpu.memory_space<vmem>>, vector<16xf32>,
          tpu.vector_store %arg13[%swap3A_657, %swap3A_658], %mul3A_656 {strides = array<i32>} : memref<80x128xf32, #tpu.memory_space<vmem>>, vector<16xf32>,
          %get3A_660 = arith.index_cast %add3A_638 : i32 to index
          %get3A_661 = arith.constant 48 : index
          %get3A_662 = tpu.vector_load %arg13[%get3A_660, %get3A_661] {strides = array<i32>} : memref<80x128xf32, #tpu.memory_space<vmem>>, vector<16xf32>,
          %mul3A_663 = arith.mulf %get3A_662, %broadcast_in_dim3A_634 : vector<16xf32>
          %swap3A_664 = arith.index_cast %add3A_638 : i32 to index
          %swap3A_665 = arith.constant 48 : index
          %swap3A_666 = tpu.vector_load %arg13[%swap3A_664, %swap3A_665] {strides = array<i32>} : memref<80x128xf32, #tpu.memory_space<vmem>>, vector<16xf32>,
          tpu.vector_store %arg13[%swap3A_664, %swap3A_665], %mul3A_663 {strides = array<i32>} : memref<80x128xf32, #tpu.memory_space<vmem>>, vector<16xf32>,
          %get3A_667 = arith.index_cast %add3A_638 : i32 to index
          %get3A_668 = arith.constant 64 : index
          %get3A_669 = tpu.vector_load %arg13[%get3A_667, %get3A_668] {strides = array<i32>} : memref<80x128xf32, #tpu.memory_space<vmem>>, vector<16xf32>,
          %mul3A_670 = arith.mulf %get3A_669, %broadcast_in_dim3A_634 : vector<16xf32>
          %swap3A_671 = arith.index_cast %add3A_638 : i32 to index
          %swap3A_672 = arith.constant 64 : index
          %swap3A_673 = tpu.vector_load %arg13[%swap3A_671, %swap3A_672] {strides = array<i32>} : memref<80x128xf32, #tpu.memory_space<vmem>>, vector<16xf32>,
          tpu.vector_store %arg13[%swap3A_671, %swap3A_672], %mul3A_670 {strides = array<i32>} : memref<80x128xf32, #tpu.memory_space<vmem>>, vector<16xf32>,
          %get3A_674 = arith.index_cast %add3A_638 : i32 to index
          %get3A_675 = arith.constant 80 : index
          %get3A_676 = tpu.vector_load %arg13[%get3A_674, %get3A_675] {strides = array<i32>} : memref<80x128xf32, #tpu.memory_space<vmem>>, vector<16xf32>,
          %mul3A_677 = arith.mulf %get3A_676, %broadcast_in_dim3A_634 : vector<16xf32>
          %swap3A_678 = arith.index_cast %add3A_638 : i32 to index
          %swap3A_679 = arith.constant 80 : index
          %swap3A_680 = tpu.vector_load %arg13[%swap3A_678, %swap3A_679] {strides = array<i32>} : memref<80x128xf32, #tpu.memory_space<vmem>>, vector<16xf32>,
          tpu.vector_store %arg13[%swap3A_678, %swap3A_679], %mul3A_677 {strides = array<i32>} : memref<80x128xf32, #tpu.memory_space<vmem>>, vector<16xf32>,
          %get3A_681 = arith.index_cast %add3A_638 : i32 to index
          %get3A_682 = arith.constant 96 : index
          %get3A_683 = tpu.vector_load %arg13[%get3A_681, %get3A_682] {strides = array<i32>} : memref<80x128xf32, #tpu.memory_space<vmem>>, vector<16xf32>,
          %mul3A_684 = arith.mulf %get3A_683, %broadcast_in_dim3A_634 : vector<16xf32>
          %swap3A_685 = arith.index_cast %add3A_638 : i32 to index
          %swap3A_686 = arith.constant 96 : index
          %swap3A_687 = tpu.vector_load %arg13[%swap3A_685, %swap3A_686] {strides = array<i32>} : memref<80x128xf32, #tpu.memory_space<vmem>>, vector<16xf32>,
          tpu.vector_store %arg13[%swap3A_685, %swap3A_686], %mul3A_684 {strides = array<i32>} : memref<80x128xf32, #tpu.memory_space<vmem>>, vector<16xf32>,
          %get3A_688 = arith.index_cast %add3A_638 : i32 to index
          %get3A_689 = arith.constant 112 : index
          %get3A_690 = tpu.vector_load %arg13[%get3A_688, %get3A_689] {strides = array<i32>} : memref<80x128xf32, #tpu.memory_space<vmem>>, vector<16xf32>,
          %mul3A_691 = arith.mulf %get3A_690, %broadcast_in_dim3A_634 : vector<16xf32>
          %swap3A_692 = arith.index_cast %add3A_638 : i32 to index
          %swap3A_693 = arith.constant 112 : index
          %swap3A_694 = tpu.vector_load %arg13[%swap3A_692, %swap3A_693] {strides = array<i32>} : memref<80x128xf32, #tpu.memory_space<vmem>>, vector<16xf32>,
          tpu.vector_store %arg13[%swap3A_692, %swap3A_693], %mul3A_691 {strides = array<i32>} : memref<80x128xf32, #tpu.memory_space<vmem>>, vector<16xf32>,
          %slice3A_695 = vector.extract_strided_slice %div3A_68 {offsets = [10], sizes = [1], strides = [1]} : vector<16xf32> to vector<1xf32>
          %squeeze3A_696 = vector.extract %slice3A_695[0] : f32 from vector<1xf32>
          %broadcast_in_dim3A_697 = vector.broadcast %squeeze3A_696 : f32 to vector<16xf32>
          %mul3A_698 = arith.constant 16 : i32
          %mul3A_699 = arith.muli %scan3A_50, %mul3A_698 : i32
          %add3A_700 = arith.constant 10 : i32
          %add3A_701 = arith.addi %mul3A_699, %add3A_700 : i32
          %get3A_702 = arith.index_cast %add3A_701 : i32 to index
          %get3A_703 = arith.constant 0 : index
          %get3A_704 = tpu.vector_load %arg13[%get3A_702, %get3A_703] {strides = array<i32>} : memref<80x128xf32, #tpu.memory_space<vmem>>, vector<16xf32>,
          %mul3A_705 = arith.mulf %get3A_704, %broadcast_in_dim3A_697 : vector<16xf32>
          %swap3A_706 = arith.index_cast %add3A_701 : i32 to index
          %swap3A_707 = arith.constant 0 : index
          %swap3A_708 = tpu.vector_load %arg13[%swap3A_706, %swap3A_707] {strides = array<i32>} : memref<80x128xf32, #tpu.memory_space<vmem>>, vector<16xf32>,
          tpu.vector_store %arg13[%swap3A_706, %swap3A_707], %mul3A_705 {strides = array<i32>} : memref<80x128xf32, #tpu.memory_space<vmem>>, vector<16xf32>,
          %get3A_709 = arith.index_cast %add3A_701 : i32 to index
          %get3A_710 = arith.constant 16 : index
          %get3A_711 = tpu.vector_load %arg13[%get3A_709, %get3A_710] {strides = array<i32>} : memref<80x128xf32, #tpu.memory_space<vmem>>, vector<16xf32>,
          %mul3A_712 = arith.mulf %get3A_711, %broadcast_in_dim3A_697 : vector<16xf32>
          %swap3A_713 = arith.index_cast %add3A_701 : i32 to index
          %swap3A_714 = arith.constant 16 : index
          %swap3A_715 = tpu.vector_load %arg13[%swap3A_713, %swap3A_714] {strides = array<i32>} : memref<80x128xf32, #tpu.memory_space<vmem>>, vector<16xf32>,
          tpu.vector_store %arg13[%swap3A_713, %swap3A_714], %mul3A_712 {strides = array<i32>} : memref<80x128xf32, #tpu.memory_space<vmem>>, vector<16xf32>,
          %get3A_716 = arith.index_cast %add3A_701 : i32 to index
          %get3A_717 = arith.constant 32 : index
          %get3A_718 = tpu.vector_load %arg13[%get3A_716, %get3A_717] {strides = array<i32>} : memref<80x128xf32, #tpu.memory_space<vmem>>, vector<16xf32>,
          %mul3A_719 = arith.mulf %get3A_718, %broadcast_in_dim3A_697 : vector<16xf32>
          %swap3A_720 = arith.index_cast %add3A_701 : i32 to index
          %swap3A_721 = arith.constant 32 : index
          %swap3A_722 = tpu.vector_load %arg13[%swap3A_720, %swap3A_721] {strides = array<i32>} : memref<80x128xf32, #tpu.memory_space<vmem>>, vector<16xf32>,
          tpu.vector_store %arg13[%swap3A_720, %swap3A_721], %mul3A_719 {strides = array<i32>} : memref<80x128xf32, #tpu.memory_space<vmem>>, vector<16xf32>,
          %get3A_723 = arith.index_cast %add3A_701 : i32 to index
          %get3A_724 = arith.constant 48 : index
          %get3A_725 = tpu.vector_load %arg13[%get3A_723, %get3A_724] {strides = array<i32>} : memref<80x128xf32, #tpu.memory_space<vmem>>, vector<16xf32>,
          %mul3A_726 = arith.mulf %get3A_725, %broadcast_in_dim3A_697 : vector<16xf32>
          %swap3A_727 = arith.index_cast %add3A_701 : i32 to index
          %swap3A_728 = arith.constant 48 : index
          %swap3A_729 = tpu.vector_load %arg13[%swap3A_727, %swap3A_728] {strides = array<i32>} : memref<80x128xf32, #tpu.memory_space<vmem>>, vector<16xf32>,
          tpu.vector_store %arg13[%swap3A_727, %swap3A_728], %mul3A_726 {strides = array<i32>} : memref<80x128xf32, #tpu.memory_space<vmem>>, vector<16xf32>,
          %get3A_730 = arith.index_cast %add3A_701 : i32 to index
          %get3A_731 = arith.constant 64 : index
          %get3A_732 = tpu.vector_load %arg13[%get3A_730, %get3A_731] {strides = array<i32>} : memref<80x128xf32, #tpu.memory_space<vmem>>, vector<16xf32>,
          %mul3A_733 = arith.mulf %get3A_732, %broadcast_in_dim3A_697 : vector<16xf32>
          %swap3A_734 = arith.index_cast %add3A_701 : i32 to index
          %swap3A_735 = arith.constant 64 : index
          %swap3A_736 = tpu.vector_load %arg13[%swap3A_734, %swap3A_735] {strides = array<i32>} : memref<80x128xf32, #tpu.memory_space<vmem>>, vector<16xf32>,
          tpu.vector_store %arg13[%swap3A_734, %swap3A_735], %mul3A_733 {strides = array<i32>} : memref<80x128xf32, #tpu.memory_space<vmem>>, vector<16xf32>,
          %get3A_737 = arith.index_cast %add3A_701 : i32 to index
          %get3A_738 = arith.constant 80 : index
          %get3A_739 = tpu.vector_load %arg13[%get3A_737, %get3A_738] {strides = array<i32>} : memref<80x128xf32, #tpu.memory_space<vmem>>, vector<16xf32>,
          %mul3A_740 = arith.mulf %get3A_739, %broadcast_in_dim3A_697 : vector<16xf32>
          %swap3A_741 = arith.index_cast %add3A_701 : i32 to index
          %swap3A_742 = arith.constant 80 : index
          %swap3A_743 = tpu.vector_load %arg13[%swap3A_741, %swap3A_742] {strides = array<i32>} : memref<80x128xf32, #tpu.memory_space<vmem>>, vector<16xf32>,
          tpu.vector_store %arg13[%swap3A_741, %swap3A_742], %mul3A_740 {strides = array<i32>} : memref<80x128xf32, #tpu.memory_space<vmem>>, vector<16xf32>,
          %get3A_744 = arith.index_cast %add3A_701 : i32 to index
          %get3A_745 = arith.constant 96 : index
          %get3A_746 = tpu.vector_load %arg13[%get3A_744, %get3A_745] {strides = array<i32>} : memref<80x128xf32, #tpu.memory_space<vmem>>, vector<16xf32>,
          %mul3A_747 = arith.mulf %get3A_746, %broadcast_in_dim3A_697 : vector<16xf32>
          %swap3A_748 = arith.index_cast %add3A_701 : i32 to index
          %swap3A_749 = arith.constant 96 : index
          %swap3A_750 = tpu.vector_load %arg13[%swap3A_748, %swap3A_749] {strides = array<i32>} : memref<80x128xf32, #tpu.memory_space<vmem>>, vector<16xf32>,
          tpu.vector_store %arg13[%swap3A_748, %swap3A_749], %mul3A_747 {strides = array<i32>} : memref<80x128xf32, #tpu.memory_space<vmem>>, vector<16xf32>,
          %get3A_751 = arith.index_cast %add3A_701 : i32 to index
          %get3A_752 = arith.constant 112 : index
          %get3A_753 = tpu.vector_load %arg13[%get3A_751, %get3A_752] {strides = array<i32>} : memref<80x128xf32, #tpu.memory_space<vmem>>, vector<16xf32>,
          %mul3A_754 = arith.mulf %get3A_753, %broadcast_in_dim3A_697 : vector<16xf32>
          %swap3A_755 = arith.index_cast %add3A_701 : i32 to index
          %swap3A_756 = arith.constant 112 : index
          %swap3A_757 = tpu.vector_load %arg13[%swap3A_755, %swap3A_756] {strides = array<i32>} : memref<80x128xf32, #tpu.memory_space<vmem>>, vector<16xf32>,
          tpu.vector_store %arg13[%swap3A_755, %swap3A_756], %mul3A_754 {strides = array<i32>} : memref<80x128xf32, #tpu.memory_space<vmem>>, vector<16xf32>,
          %slice3A_758 = vector.extract_strided_slice %div3A_68 {offsets = [11], sizes = [1], strides = [1]} : vector<16xf32> to vector<1xf32>
          %squeeze3A_759 = vector.extract %slice3A_758[0] : f32 from vector<1xf32>
          %broadcast_in_dim3A_760 = vector.broadcast %squeeze3A_759 : f32 to vector<16xf32>
          %mul3A_761 = arith.constant 16 : i32
          %mul3A_762 = arith.muli %scan3A_50, %mul3A_761 : i32
          %add3A_763 = arith.constant 11 : i32
          %add3A_764 = arith.addi %mul3A_762, %add3A_763 : i32
          %get3A_765 = arith.index_cast %add3A_764 : i32 to index
          %get3A_766 = arith.constant 0 : index
          %get3A_767 = tpu.vector_load %arg13[%get3A_765, %get3A_766] {strides = array<i32>} : memref<80x128xf32, #tpu.memory_space<vmem>>, vector<16xf32>,
          %mul3A_768 = arith.mulf %get3A_767, %broadcast_in_dim3A_760 : vector<16xf32>
          %swap3A_769 = arith.index_cast %add3A_764 : i32 to index
          %swap3A_770 = arith.constant 0 : index
          %swap3A_771 = tpu.vector_load %arg13[%swap3A_769, %swap3A_770] {strides = array<i32>} : memref<80x128xf32, #tpu.memory_space<vmem>>, vector<16xf32>,
          tpu.vector_store %arg13[%swap3A_769, %swap3A_770], %mul3A_768 {strides = array<i32>} : memref<80x128xf32, #tpu.memory_space<vmem>>, vector<16xf32>,
          %get3A_772 = arith.index_cast %add3A_764 : i32 to index
          %get3A_773 = arith.constant 16 : index
          %get3A_774 = tpu.vector_load %arg13[%get3A_772, %get3A_773] {strides = array<i32>} : memref<80x128xf32, #tpu.memory_space<vmem>>, vector<16xf32>,
          %mul3A_775 = arith.mulf %get3A_774, %broadcast_in_dim3A_760 : vector<16xf32>
          %swap3A_776 = arith.index_cast %add3A_764 : i32 to index
          %swap3A_777 = arith.constant 16 : index
          %swap3A_778 = tpu.vector_load %arg13[%swap3A_776, %swap3A_777] {strides = array<i32>} : memref<80x128xf32, #tpu.memory_space<vmem>>, vector<16xf32>,
          tpu.vector_store %arg13[%swap3A_776, %swap3A_777], %mul3A_775 {strides = array<i32>} : memref<80x128xf32, #tpu.memory_space<vmem>>, vector<16xf32>,
          %get3A_779 = arith.index_cast %add3A_764 : i32 to index
          %get3A_780 = arith.constant 32 : index
          %get3A_781 = tpu.vector_load %arg13[%get3A_779, %get3A_780] {strides = array<i32>} : memref<80x128xf32, #tpu.memory_space<vmem>>, vector<16xf32>,
          %mul3A_782 = arith.mulf %get3A_781, %broadcast_in_dim3A_760 : vector<16xf32>
          %swap3A_783 = arith.index_cast %add3A_764 : i32 to index
          %swap3A_784 = arith.constant 32 : index
          %swap3A_785 = tpu.vector_load %arg13[%swap3A_783, %swap3A_784] {strides = array<i32>} : memref<80x128xf32, #tpu.memory_space<vmem>>, vector<16xf32>,
          tpu.vector_store %arg13[%swap3A_783, %swap3A_784], %mul3A_782 {strides = array<i32>} : memref<80x128xf32, #tpu.memory_space<vmem>>, vector<16xf32>,
          %get3A_786 = arith.index_cast %add3A_764 : i32 to index
          %get3A_787 = arith.constant 48 : index
          %get3A_788 = tpu.vector_load %arg13[%get3A_786, %get3A_787] {strides = array<i32>} : memref<80x128xf32, #tpu.memory_space<vmem>>, vector<16xf32>,
          %mul3A_789 = arith.mulf %get3A_788, %broadcast_in_dim3A_760 : vector<16xf32>
          %swap3A_790 = arith.index_cast %add3A_764 : i32 to index
          %swap3A_791 = arith.constant 48 : index
          %swap3A_792 = tpu.vector_load %arg13[%swap3A_790, %swap3A_791] {strides = array<i32>} : memref<80x128xf32, #tpu.memory_space<vmem>>, vector<16xf32>,
          tpu.vector_store %arg13[%swap3A_790, %swap3A_791], %mul3A_789 {strides = array<i32>} : memref<80x128xf32, #tpu.memory_space<vmem>>, vector<16xf32>,
          %get3A_793 = arith.index_cast %add3A_764 : i32 to index
          %get3A_794 = arith.constant 64 : index
          %get3A_795 = tpu.vector_load %arg13[%get3A_793, %get3A_794] {strides = array<i32>} : memref<80x128xf32, #tpu.memory_space<vmem>>, vector<16xf32>,
          %mul3A_796 = arith.mulf %get3A_795, %broadcast_in_dim3A_760 : vector<16xf32>
          %swap3A_797 = arith.index_cast %add3A_764 : i32 to index
          %swap3A_798 = arith.constant 64 : index
          %swap3A_799 = tpu.vector_load %arg13[%swap3A_797, %swap3A_798] {strides = array<i32>} : memref<80x128xf32, #tpu.memory_space<vmem>>, vector<16xf32>,
          tpu.vector_store %arg13[%swap3A_797, %swap3A_798], %mul3A_796 {strides = array<i32>} : memref<80x128xf32, #tpu.memory_space<vmem>>, vector<16xf32>,
          %get3A_800 = arith.index_cast %add3A_764 : i32 to index
          %get3A_801 = arith.constant 80 : index
          %get3A_802 = tpu.vector_load %arg13[%get3A_800, %get3A_801] {strides = array<i32>} : memref<80x128xf32, #tpu.memory_space<vmem>>, vector<16xf32>,
          %mul3A_803 = arith.mulf %get3A_802, %broadcast_in_dim3A_760 : vector<16xf32>
          %swap3A_804 = arith.index_cast %add3A_764 : i32 to index
          %swap3A_805 = arith.constant 80 : index
          %swap3A_806 = tpu.vector_load %arg13[%swap3A_804, %swap3A_805] {strides = array<i32>} : memref<80x128xf32, #tpu.memory_space<vmem>>, vector<16xf32>,
          tpu.vector_store %arg13[%swap3A_804, %swap3A_805], %mul3A_803 {strides = array<i32>} : memref<80x128xf32, #tpu.memory_space<vmem>>, vector<16xf32>,
          %get3A_807 = arith.index_cast %add3A_764 : i32 to index
          %get3A_808 = arith.constant 96 : index
          %get3A_809 = tpu.vector_load %arg13[%get3A_807, %get3A_808] {strides = array<i32>} : memref<80x128xf32, #tpu.memory_space<vmem>>, vector<16xf32>,
          %mul3A_810 = arith.mulf %get3A_809, %broadcast_in_dim3A_760 : vector<16xf32>
          %swap3A_811 = arith.index_cast %add3A_764 : i32 to index
          %swap3A_812 = arith.constant 96 : index
          %swap3A_813 = tpu.vector_load %arg13[%swap3A_811, %swap3A_812] {strides = array<i32>} : memref<80x128xf32, #tpu.memory_space<vmem>>, vector<16xf32>,
          tpu.vector_store %arg13[%swap3A_811, %swap3A_812], %mul3A_810 {strides = array<i32>} : memref<80x128xf32, #tpu.memory_space<vmem>>, vector<16xf32>,
          %get3A_814 = arith.index_cast %add3A_764 : i32 to index
          %get3A_815 = arith.constant 112 : index
          %get3A_816 = tpu.vector_load %arg13[%get3A_814, %get3A_815] {strides = array<i32>} : memref<80x128xf32, #tpu.memory_space<vmem>>, vector<16xf32>,
          %mul3A_817 = arith.mulf %get3A_816, %broadcast_in_dim3A_760 : vector<16xf32>
          %swap3A_818 = arith.index_cast %add3A_764 : i32 to index
          %swap3A_819 = arith.constant 112 : index
          %swap3A_820 = tpu.vector_load %arg13[%swap3A_818, %swap3A_819] {strides = array<i32>} : memref<80x128xf32, #tpu.memory_space<vmem>>, vector<16xf32>,
          tpu.vector_store %arg13[%swap3A_818, %swap3A_819], %mul3A_817 {strides = array<i32>} : memref<80x128xf32, #tpu.memory_space<vmem>>, vector<16xf32>,
          %slice3A_821 = vector.extract_strided_slice %div3A_68 {offsets = [12], sizes = [1], strides = [1]} : vector<16xf32> to vector<1xf32>
          %squeeze3A_822 = vector.extract %slice3A_821[0] : f32 from vector<1xf32>
          %broadcast_in_dim3A_823 = vector.broadcast %squeeze3A_822 : f32 to vector<16xf32>
          %mul3A_824 = arith.constant 16 : i32
          %mul3A_825 = arith.muli %scan3A_50, %mul3A_824 : i32
          %add3A_826 = arith.constant 12 : i32
          %add3A_827 = arith.addi %mul3A_825, %add3A_826 : i32
          %get3A_828 = arith.index_cast %add3A_827 : i32 to index
          %get3A_829 = arith.constant 0 : index
          %get3A_830 = tpu.vector_load %arg13[%get3A_828, %get3A_829] {strides = array<i32>} : memref<80x128xf32, #tpu.memory_space<vmem>>, vector<16xf32>,
          %mul3A_831 = arith.mulf %get3A_830, %broadcast_in_dim3A_823 : vector<16xf32>
          %swap3A_832 = arith.index_cast %add3A_827 : i32 to index
          %swap3A_833 = arith.constant 0 : index
          %swap3A_834 = tpu.vector_load %arg13[%swap3A_832, %swap3A_833] {strides = array<i32>} : memref<80x128xf32, #tpu.memory_space<vmem>>, vector<16xf32>,
          tpu.vector_store %arg13[%swap3A_832, %swap3A_833], %mul3A_831 {strides = array<i32>} : memref<80x128xf32, #tpu.memory_space<vmem>>, vector<16xf32>,
          %get3A_835 = arith.index_cast %add3A_827 : i32 to index
          %get3A_836 = arith.constant 16 : index
          %get3A_837 = tpu.vector_load %arg13[%get3A_835, %get3A_836] {strides = array<i32>} : memref<80x128xf32, #tpu.memory_space<vmem>>, vector<16xf32>,
          %mul3A_838 = arith.mulf %get3A_837, %broadcast_in_dim3A_823 : vector<16xf32>
          %swap3A_839 = arith.index_cast %add3A_827 : i32 to index
          %swap3A_840 = arith.constant 16 : index
          %swap3A_841 = tpu.vector_load %arg13[%swap3A_839, %swap3A_840] {strides = array<i32>} : memref<80x128xf32, #tpu.memory_space<vmem>>, vector<16xf32>,
          tpu.vector_store %arg13[%swap3A_839, %swap3A_840], %mul3A_838 {strides = array<i32>} : memref<80x128xf32, #tpu.memory_space<vmem>>, vector<16xf32>,
          %get3A_842 = arith.index_cast %add3A_827 : i32 to index
          %get3A_843 = arith.constant 32 : index
          %get3A_844 = tpu.vector_load %arg13[%get3A_842, %get3A_843] {strides = array<i32>} : memref<80x128xf32, #tpu.memory_space<vmem>>, vector<16xf32>,
          %mul3A_845 = arith.mulf %get3A_844, %broadcast_in_dim3A_823 : vector<16xf32>
          %swap3A_846 = arith.index_cast %add3A_827 : i32 to index
          %swap3A_847 = arith.constant 32 : index
          %swap3A_848 = tpu.vector_load %arg13[%swap3A_846, %swap3A_847] {strides = array<i32>} : memref<80x128xf32, #tpu.memory_space<vmem>>, vector<16xf32>,
          tpu.vector_store %arg13[%swap3A_846, %swap3A_847], %mul3A_845 {strides = array<i32>} : memref<80x128xf32, #tpu.memory_space<vmem>>, vector<16xf32>,
          %get3A_849 = arith.index_cast %add3A_827 : i32 to index
          %get3A_850 = arith.constant 48 : index
          %get3A_851 = tpu.vector_load %arg13[%get3A_849, %get3A_850] {strides = array<i32>} : memref<80x128xf32, #tpu.memory_space<vmem>>, vector<16xf32>,
          %mul3A_852 = arith.mulf %get3A_851, %broadcast_in_dim3A_823 : vector<16xf32>
          %swap3A_853 = arith.index_cast %add3A_827 : i32 to index
          %swap3A_854 = arith.constant 48 : index
          %swap3A_855 = tpu.vector_load %arg13[%swap3A_853, %swap3A_854] {strides = array<i32>} : memref<80x128xf32, #tpu.memory_space<vmem>>, vector<16xf32>,
          tpu.vector_store %arg13[%swap3A_853, %swap3A_854], %mul3A_852 {strides = array<i32>} : memref<80x128xf32, #tpu.memory_space<vmem>>, vector<16xf32>,
          %get3A_856 = arith.index_cast %add3A_827 : i32 to index
          %get3A_857 = arith.constant 64 : index
          %get3A_858 = tpu.vector_load %arg13[%get3A_856, %get3A_857] {strides = array<i32>} : memref<80x128xf32, #tpu.memory_space<vmem>>, vector<16xf32>,
          %mul3A_859 = arith.mulf %get3A_858, %broadcast_in_dim3A_823 : vector<16xf32>
          %swap3A_860 = arith.index_cast %add3A_827 : i32 to index
          %swap3A_861 = arith.constant 64 : index
          %swap3A_862 = tpu.vector_load %arg13[%swap3A_860, %swap3A_861] {strides = array<i32>} : memref<80x128xf32, #tpu.memory_space<vmem>>, vector<16xf32>,
          tpu.vector_store %arg13[%swap3A_860, %swap3A_861], %mul3A_859 {strides = array<i32>} : memref<80x128xf32, #tpu.memory_space<vmem>>, vector<16xf32>,
          %get3A_863 = arith.index_cast %add3A_827 : i32 to index
          %get3A_864 = arith.constant 80 : index
          %get3A_865 = tpu.vector_load %arg13[%get3A_863, %get3A_864] {strides = array<i32>} : memref<80x128xf32, #tpu.memory_space<vmem>>, vector<16xf32>,
          %mul3A_866 = arith.mulf %get3A_865, %broadcast_in_dim3A_823 : vector<16xf32>
          %swap3A_867 = arith.index_cast %add3A_827 : i32 to index
          %swap3A_868 = arith.constant 80 : index
          %swap3A_869 = tpu.vector_load %arg13[%swap3A_867, %swap3A_868] {strides = array<i32>} : memref<80x128xf32, #tpu.memory_space<vmem>>, vector<16xf32>,
          tpu.vector_store %arg13[%swap3A_867, %swap3A_868], %mul3A_866 {strides = array<i32>} : memref<80x128xf32, #tpu.memory_space<vmem>>, vector<16xf32>,
          %get3A_870 = arith.index_cast %add3A_827 : i32 to index
          %get3A_871 = arith.constant 96 : index
          %get3A_872 = tpu.vector_load %arg13[%get3A_870, %get3A_871] {strides = array<i32>} : memref<80x128xf32, #tpu.memory_space<vmem>>, vector<16xf32>,
          %mul3A_873 = arith.mulf %get3A_872, %broadcast_in_dim3A_823 : vector<16xf32>
          %swap3A_874 = arith.index_cast %add3A_827 : i32 to index
          %swap3A_875 = arith.constant 96 : index
          %swap3A_876 = tpu.vector_load %arg13[%swap3A_874, %swap3A_875] {strides = array<i32>} : memref<80x128xf32, #tpu.memory_space<vmem>>, vector<16xf32>,
          tpu.vector_store %arg13[%swap3A_874, %swap3A_875], %mul3A_873 {strides = array<i32>} : memref<80x128xf32, #tpu.memory_space<vmem>>, vector<16xf32>,
          %get3A_877 = arith.index_cast %add3A_827 : i32 to index
          %get3A_878 = arith.constant 112 : index
          %get3A_879 = tpu.vector_load %arg13[%get3A_877, %get3A_878] {strides = array<i32>} : memref<80x128xf32, #tpu.memory_space<vmem>>, vector<16xf32>,
          %mul3A_880 = arith.mulf %get3A_879, %broadcast_in_dim3A_823 : vector<16xf32>
          %swap3A_881 = arith.index_cast %add3A_827 : i32 to index
          %swap3A_882 = arith.constant 112 : index
          %swap3A_883 = tpu.vector_load %arg13[%swap3A_881, %swap3A_882] {strides = array<i32>} : memref<80x128xf32, #tpu.memory_space<vmem>>, vector<16xf32>,
          tpu.vector_store %arg13[%swap3A_881, %swap3A_882], %mul3A_880 {strides = array<i32>} : memref<80x128xf32, #tpu.memory_space<vmem>>, vector<16xf32>,
          %slice3A_884 = vector.extract_strided_slice %div3A_68 {offsets = [13], sizes = [1], strides = [1]} : vector<16xf32> to vector<1xf32>
          %squeeze3A_885 = vector.extract %slice3A_884[0] : f32 from vector<1xf32>
          %broadcast_in_dim3A_886 = vector.broadcast %squeeze3A_885 : f32 to vector<16xf32>
          %mul3A_887 = arith.constant 16 : i32
          %mul3A_888 = arith.muli %scan3A_50, %mul3A_887 : i32
          %add3A_889 = arith.constant 13 : i32
          %add3A_890 = arith.addi %mul3A_888, %add3A_889 : i32
          %get3A_891 = arith.index_cast %add3A_890 : i32 to index
          %get3A_892 = arith.constant 0 : index
          %get3A_893 = tpu.vector_load %arg13[%get3A_891, %get3A_892] {strides = array<i32>} : memref<80x128xf32, #tpu.memory_space<vmem>>, vector<16xf32>,
          %mul3A_894 = arith.mulf %get3A_893, %broadcast_in_dim3A_886 : vector<16xf32>
          %swap3A_895 = arith.index_cast %add3A_890 : i32 to index
          %swap3A_896 = arith.constant 0 : index
          %swap3A_897 = tpu.vector_load %arg13[%swap3A_895, %swap3A_896] {strides = array<i32>} : memref<80x128xf32, #tpu.memory_space<vmem>>, vector<16xf32>,
          tpu.vector_store %arg13[%swap3A_895, %swap3A_896], %mul3A_894 {strides = array<i32>} : memref<80x128xf32, #tpu.memory_space<vmem>>, vector<16xf32>,
          %get3A_898 = arith.index_cast %add3A_890 : i32 to index
          %get3A_899 = arith.constant 16 : index
          %get3A_900 = tpu.vector_load %arg13[%get3A_898, %get3A_899] {strides = array<i32>} : memref<80x128xf32, #tpu.memory_space<vmem>>, vector<16xf32>,
          %mul3A_901 = arith.mulf %get3A_900, %broadcast_in_dim3A_886 : vector<16xf32>
          %swap3A_902 = arith.index_cast %add3A_890 : i32 to index
          %swap3A_903 = arith.constant 16 : index
          %swap3A_904 = tpu.vector_load %arg13[%swap3A_902, %swap3A_903] {strides = array<i32>} : memref<80x128xf32, #tpu.memory_space<vmem>>, vector<16xf32>,
          tpu.vector_store %arg13[%swap3A_902, %swap3A_903], %mul3A_901 {strides = array<i32>} : memref<80x128xf32, #tpu.memory_space<vmem>>, vector<16xf32>,
          %get3A_905 = arith.index_cast %add3A_890 : i32 to index
          %get3A_906 = arith.constant 32 : index
          %get3A_907 = tpu.vector_load %arg13[%get3A_905, %get3A_906] {strides = array<i32>} : memref<80x128xf32, #tpu.memory_space<vmem>>, vector<16xf32>,
          %mul3A_908 = arith.mulf %get3A_907, %broadcast_in_dim3A_886 : vector<16xf32>
          %swap3A_909 = arith.index_cast %add3A_890 : i32 to index
          %swap3A_910 = arith.constant 32 : index
          %swap3A_911 = tpu.vector_load %arg13[%swap3A_909, %swap3A_910] {strides = array<i32>} : memref<80x128xf32, #tpu.memory_space<vmem>>, vector<16xf32>,
          tpu.vector_store %arg13[%swap3A_909, %swap3A_910], %mul3A_908 {strides = array<i32>} : memref<80x128xf32, #tpu.memory_space<vmem>>, vector<16xf32>,
          %get3A_912 = arith.index_cast %add3A_890 : i32 to index
          %get3A_913 = arith.constant 48 : index
          %get3A_914 = tpu.vector_load %arg13[%get3A_912, %get3A_913] {strides = array<i32>} : memref<80x128xf32, #tpu.memory_space<vmem>>, vector<16xf32>,
          %mul3A_915 = arith.mulf %get3A_914, %broadcast_in_dim3A_886 : vector<16xf32>
          %swap3A_916 = arith.index_cast %add3A_890 : i32 to index
          %swap3A_917 = arith.constant 48 : index
          %swap3A_918 = tpu.vector_load %arg13[%swap3A_916, %swap3A_917] {strides = array<i32>} : memref<80x128xf32, #tpu.memory_space<vmem>>, vector<16xf32>,
          tpu.vector_store %arg13[%swap3A_916, %swap3A_917], %mul3A_915 {strides = array<i32>} : memref<80x128xf32, #tpu.memory_space<vmem>>, vector<16xf32>,
          %get3A_919 = arith.index_cast %add3A_890 : i32 to index
          %get3A_920 = arith.constant 64 : index
          %get3A_921 = tpu.vector_load %arg13[%get3A_919, %get3A_920] {strides = array<i32>} : memref<80x128xf32, #tpu.memory_space<vmem>>, vector<16xf32>,
          %mul3A_922 = arith.mulf %get3A_921, %broadcast_in_dim3A_886 : vector<16xf32>
          %swap3A_923 = arith.index_cast %add3A_890 : i32 to index
          %swap3A_924 = arith.constant 64 : index
          %swap3A_925 = tpu.vector_load %arg13[%swap3A_923, %swap3A_924] {strides = array<i32>} : memref<80x128xf32, #tpu.memory_space<vmem>>, vector<16xf32>,
          tpu.vector_store %arg13[%swap3A_923, %swap3A_924], %mul3A_922 {strides = array<i32>} : memref<80x128xf32, #tpu.memory_space<vmem>>, vector<16xf32>,
          %get3A_926 = arith.index_cast %add3A_890 : i32 to index
          %get3A_927 = arith.constant 80 : index
          %get3A_928 = tpu.vector_load %arg13[%get3A_926, %get3A_927] {strides = array<i32>} : memref<80x128xf32, #tpu.memory_space<vmem>>, vector<16xf32>,
          %mul3A_929 = arith.mulf %get3A_928, %broadcast_in_dim3A_886 : vector<16xf32>
          %swap3A_930 = arith.index_cast %add3A_890 : i32 to index
          %swap3A_931 = arith.constant 80 : index
          %swap3A_932 = tpu.vector_load %arg13[%swap3A_930, %swap3A_931] {strides = array<i32>} : memref<80x128xf32, #tpu.memory_space<vmem>>, vector<16xf32>,
          tpu.vector_store %arg13[%swap3A_930, %swap3A_931], %mul3A_929 {strides = array<i32>} : memref<80x128xf32, #tpu.memory_space<vmem>>, vector<16xf32>,
          %get3A_933 = arith.index_cast %add3A_890 : i32 to index
          %get3A_934 = arith.constant 96 : index
          %get3A_935 = tpu.vector_load %arg13[%get3A_933, %get3A_934] {strides = array<i32>} : memref<80x128xf32, #tpu.memory_space<vmem>>, vector<16xf32>,
          %mul3A_936 = arith.mulf %get3A_935, %broadcast_in_dim3A_886 : vector<16xf32>
          %swap3A_937 = arith.index_cast %add3A_890 : i32 to index
          %swap3A_938 = arith.constant 96 : index
          %swap3A_939 = tpu.vector_load %arg13[%swap3A_937, %swap3A_938] {strides = array<i32>} : memref<80x128xf32, #tpu.memory_space<vmem>>, vector<16xf32>,
          tpu.vector_store %arg13[%swap3A_937, %swap3A_938], %mul3A_936 {strides = array<i32>} : memref<80x128xf32, #tpu.memory_space<vmem>>, vector<16xf32>,
          %get3A_940 = arith.index_cast %add3A_890 : i32 to index
          %get3A_941 = arith.constant 112 : index
          %get3A_942 = tpu.vector_load %arg13[%get3A_940, %get3A_941] {strides = array<i32>} : memref<80x128xf32, #tpu.memory_space<vmem>>, vector<16xf32>,
          %mul3A_943 = arith.mulf %get3A_942, %broadcast_in_dim3A_886 : vector<16xf32>
          %swap3A_944 = arith.index_cast %add3A_890 : i32 to index
          %swap3A_945 = arith.constant 112 : index
          %swap3A_946 = tpu.vector_load %arg13[%swap3A_944, %swap3A_945] {strides = array<i32>} : memref<80x128xf32, #tpu.memory_space<vmem>>, vector<16xf32>,
          tpu.vector_store %arg13[%swap3A_944, %swap3A_945], %mul3A_943 {strides = array<i32>} : memref<80x128xf32, #tpu.memory_space<vmem>>, vector<16xf32>,
          %slice3A_947 = vector.extract_strided_slice %div3A_68 {offsets = [14], sizes = [1], strides = [1]} : vector<16xf32> to vector<1xf32>
          %squeeze3A_948 = vector.extract %slice3A_947[0] : f32 from vector<1xf32>
          %broadcast_in_dim3A_949 = vector.broadcast %squeeze3A_948 : f32 to vector<16xf32>
          %mul3A_950 = arith.constant 16 : i32
          %mul3A_951 = arith.muli %scan3A_50, %mul3A_950 : i32
          %add3A_952 = arith.constant 14 : i32
          %add3A_953 = arith.addi %mul3A_951, %add3A_952 : i32
          %get3A_954 = arith.index_cast %add3A_953 : i32 to index
          %get3A_955 = arith.constant 0 : index
          %get3A_956 = tpu.vector_load %arg13[%get3A_954, %get3A_955] {strides = array<i32>} : memref<80x128xf32, #tpu.memory_space<vmem>>, vector<16xf32>,
          %mul3A_957 = arith.mulf %get3A_956, %broadcast_in_dim3A_949 : vector<16xf32>
          %swap3A_958 = arith.index_cast %add3A_953 : i32 to index
          %swap3A_959 = arith.constant 0 : index
          %swap3A_960 = tpu.vector_load %arg13[%swap3A_958, %swap3A_959] {strides = array<i32>} : memref<80x128xf32, #tpu.memory_space<vmem>>, vector<16xf32>,
          tpu.vector_store %arg13[%swap3A_958, %swap3A_959], %mul3A_957 {strides = array<i32>} : memref<80x128xf32, #tpu.memory_space<vmem>>, vector<16xf32>,
          %get3A_961 = arith.index_cast %add3A_953 : i32 to index
          %get3A_962 = arith.constant 16 : index
          %get3A_963 = tpu.vector_load %arg13[%get3A_961, %get3A_962] {strides = array<i32>} : memref<80x128xf32, #tpu.memory_space<vmem>>, vector<16xf32>,
          %mul3A_964 = arith.mulf %get3A_963, %broadcast_in_dim3A_949 : vector<16xf32>
          %swap3A_965 = arith.index_cast %add3A_953 : i32 to index
          %swap3A_966 = arith.constant 16 : index
          %swap3A_967 = tpu.vector_load %arg13[%swap3A_965, %swap3A_966] {strides = array<i32>} : memref<80x128xf32, #tpu.memory_space<vmem>>, vector<16xf32>,
          tpu.vector_store %arg13[%swap3A_965, %swap3A_966], %mul3A_964 {strides = array<i32>} : memref<80x128xf32, #tpu.memory_space<vmem>>, vector<16xf32>,
          %get3A_968 = arith.index_cast %add3A_953 : i32 to index
          %get3A_969 = arith.constant 32 : index
          %get3A_970 = tpu.vector_load %arg13[%get3A_968, %get3A_969] {strides = array<i32>} : memref<80x128xf32, #tpu.memory_space<vmem>>, vector<16xf32>,
          %mul3A_971 = arith.mulf %get3A_970, %broadcast_in_dim3A_949 : vector<16xf32>
          %swap3A_972 = arith.index_cast %add3A_953 : i32 to index
          %swap3A_973 = arith.constant 32 : index
          %swap3A_974 = tpu.vector_load %arg13[%swap3A_972, %swap3A_973] {strides = array<i32>} : memref<80x128xf32, #tpu.memory_space<vmem>>, vector<16xf32>,
          tpu.vector_store %arg13[%swap3A_972, %swap3A_973], %mul3A_971 {strides = array<i32>} : memref<80x128xf32, #tpu.memory_space<vmem>>, vector<16xf32>,
          %get3A_975 = arith.index_cast %add3A_953 : i32 to index
          %get3A_976 = arith.constant 48 : index
          %get3A_977 = tpu.vector_load %arg13[%get3A_975, %get3A_976] {strides = array<i32>} : memref<80x128xf32, #tpu.memory_space<vmem>>, vector<16xf32>,
          %mul3A_978 = arith.mulf %get3A_977, %broadcast_in_dim3A_949 : vector<16xf32>
          %swap3A_979 = arith.index_cast %add3A_953 : i32 to index
          %swap3A_980 = arith.constant 48 : index
          %swap3A_981 = tpu.vector_load %arg13[%swap3A_979, %swap3A_980] {strides = array<i32>} : memref<80x128xf32, #tpu.memory_space<vmem>>, vector<16xf32>,
          tpu.vector_store %arg13[%swap3A_979, %swap3A_980], %mul3A_978 {strides = array<i32>} : memref<80x128xf32, #tpu.memory_space<vmem>>, vector<16xf32>,
          %get3A_982 = arith.index_cast %add3A_953 : i32 to index
          %get3A_983 = arith.constant 64 : index
          %get3A_984 = tpu.vector_load %arg13[%get3A_982, %get3A_983] {strides = array<i32>} : memref<80x128xf32, #tpu.memory_space<vmem>>, vector<16xf32>,
          %mul3A_985 = arith.mulf %get3A_984, %broadcast_in_dim3A_949 : vector<16xf32>
          %swap3A_986 = arith.index_cast %add3A_953 : i32 to index
          %swap3A_987 = arith.constant 64 : index
          %swap3A_988 = tpu.vector_load %arg13[%swap3A_986, %swap3A_987] {strides = array<i32>} : memref<80x128xf32, #tpu.memory_space<vmem>>, vector<16xf32>,
          tpu.vector_store %arg13[%swap3A_986, %swap3A_987], %mul3A_985 {strides = array<i32>} : memref<80x128xf32, #tpu.memory_space<vmem>>, vector<16xf32>,
          %get3A_989 = arith.index_cast %add3A_953 : i32 to index
          %get3A_990 = arith.constant 80 : index
          %get3A_991 = tpu.vector_load %arg13[%get3A_989, %get3A_990] {strides = array<i32>} : memref<80x128xf32, #tpu.memory_space<vmem>>, vector<16xf32>,
          %mul3A_992 = arith.mulf %get3A_991, %broadcast_in_dim3A_949 : vector<16xf32>
          %swap3A_993 = arith.index_cast %add3A_953 : i32 to index
          %swap3A_994 = arith.constant 80 : index
          %swap3A_995 = tpu.vector_load %arg13[%swap3A_993, %swap3A_994] {strides = array<i32>} : memref<80x128xf32, #tpu.memory_space<vmem>>, vector<16xf32>,
          tpu.vector_store %arg13[%swap3A_993, %swap3A_994], %mul3A_992 {strides = array<i32>} : memref<80x128xf32, #tpu.memory_space<vmem>>, vector<16xf32>,
          %get3A_996 = arith.index_cast %add3A_953 : i32 to index
          %get3A_997 = arith.constant 96 : index
          %get3A_998 = tpu.vector_load %arg13[%get3A_996, %get3A_997] {strides = array<i32>} : memref<80x128xf32, #tpu.memory_space<vmem>>, vector<16xf32>,
          %mul3A_999 = arith.mulf %get3A_998, %broadcast_in_dim3A_949 : vector<16xf32>
          %swap3A_1000 = arith.index_cast %add3A_953 : i32 to index
          %swap3A_1001 = arith.constant 96 : index
          %swap3A_1002 = tpu.vector_load %arg13[%swap3A_1000, %swap3A_1001] {strides = array<i32>} : memref<80x128xf32, #tpu.memory_space<vmem>>, vector<16xf32>,
          tpu.vector_store %arg13[%swap3A_1000, %swap3A_1001], %mul3A_999 {strides = array<i32>} : memref<80x128xf32, #tpu.memory_space<vmem>>, vector<16xf32>,
          %get3A_1003 = arith.index_cast %add3A_953 : i32 to index
          %get3A_1004 = arith.constant 112 : index
          %get3A_1005 = tpu.vector_load %arg13[%get3A_1003, %get3A_1004] {strides = array<i32>} : memref<80x128xf32, #tpu.memory_space<vmem>>, vector<16xf32>,
          %mul3A_1006 = arith.mulf %get3A_1005, %broadcast_in_dim3A_949 : vector<16xf32>
          %swap3A_1007 = arith.index_cast %add3A_953 : i32 to index
          %swap3A_1008 = arith.constant 112 : index
          %swap3A_1009 = tpu.vector_load %arg13[%swap3A_1007, %swap3A_1008] {strides = array<i32>} : memref<80x128xf32, #tpu.memory_space<vmem>>, vector<16xf32>,
          tpu.vector_store %arg13[%swap3A_1007, %swap3A_1008], %mul3A_1006 {strides = array<i32>} : memref<80x128xf32, #tpu.memory_space<vmem>>, vector<16xf32>,
          %slice3A_1010 = vector.extract_strided_slice %div3A_68 {offsets = [15], sizes = [1], strides = [1]} : vector<16xf32> to vector<1xf32>
          %squeeze3A_1011 = vector.extract %slice3A_1010[0] : f32 from vector<1xf32>
          %broadcast_in_dim3A_1012 = vector.broadcast %squeeze3A_1011 : f32 to vector<16xf32>
          %mul3A_1013 = arith.constant 16 : i32
          %mul3A_1014 = arith.muli %scan3A_50, %mul3A_1013 : i32
          %add3A_1015 = arith.constant 15 : i32
          %add3A_1016 = arith.addi %mul3A_1014, %add3A_1015 : i32
          %get3A_1017 = arith.index_cast %add3A_1016 : i32 to index
          %get3A_1018 = arith.constant 0 : index
          %get3A_1019 = tpu.vector_load %arg13[%get3A_1017, %get3A_1018] {strides = array<i32>} : memref<80x128xf32, #tpu.memory_space<vmem>>, vector<16xf32>,
          %mul3A_1020 = arith.mulf %get3A_1019, %broadcast_in_dim3A_1012 : vector<16xf32>
          %swap3A_1021 = arith.index_cast %add3A_1016 : i32 to index
          %swap3A_1022 = arith.constant 0 : index
          %swap3A_1023 = tpu.vector_load %arg13[%swap3A_1021, %swap3A_1022] {strides = array<i32>} : memref<80x128xf32, #tpu.memory_space<vmem>>, vector<16xf32>,
          tpu.vector_store %arg13[%swap3A_1021, %swap3A_1022], %mul3A_1020 {strides = array<i32>} : memref<80x128xf32, #tpu.memory_space<vmem>>, vector<16xf32>,
          %get3A_1024 = arith.index_cast %add3A_1016 : i32 to index
          %get3A_1025 = arith.constant 16 : index
          %get3A_1026 = tpu.vector_load %arg13[%get3A_1024, %get3A_1025] {strides = array<i32>} : memref<80x128xf32, #tpu.memory_space<vmem>>, vector<16xf32>,
          %mul3A_1027 = arith.mulf %get3A_1026, %broadcast_in_dim3A_1012 : vector<16xf32>
          %swap3A_1028 = arith.index_cast %add3A_1016 : i32 to index
          %swap3A_1029 = arith.constant 16 : index
          %swap3A_1030 = tpu.vector_load %arg13[%swap3A_1028, %swap3A_1029] {strides = array<i32>} : memref<80x128xf32, #tpu.memory_space<vmem>>, vector<16xf32>,
          tpu.vector_store %arg13[%swap3A_1028, %swap3A_1029], %mul3A_1027 {strides = array<i32>} : memref<80x128xf32, #tpu.memory_space<vmem>>, vector<16xf32>,
          %get3A_1031 = arith.index_cast %add3A_1016 : i32 to index
          %get3A_1032 = arith.constant 32 : index
          %get3A_1033 = tpu.vector_load %arg13[%get3A_1031, %get3A_1032] {strides = array<i32>} : memref<80x128xf32, #tpu.memory_space<vmem>>, vector<16xf32>,
          %mul3A_1034 = arith.mulf %get3A_1033, %broadcast_in_dim3A_1012 : vector<16xf32>
          %swap3A_1035 = arith.index_cast %add3A_1016 : i32 to index
          %swap3A_1036 = arith.constant 32 : index
          %swap3A_1037 = tpu.vector_load %arg13[%swap3A_1035, %swap3A_1036] {strides = array<i32>} : memref<80x128xf32, #tpu.memory_space<vmem>>, vector<16xf32>,
          tpu.vector_store %arg13[%swap3A_1035, %swap3A_1036], %mul3A_1034 {strides = array<i32>} : memref<80x128xf32, #tpu.memory_space<vmem>>, vector<16xf32>,
          %get3A_1038 = arith.index_cast %add3A_1016 : i32 to index
          %get3A_1039 = arith.constant 48 : index
          %get3A_1040 = tpu.vector_load %arg13[%get3A_1038, %get3A_1039] {strides = array<i32>} : memref<80x128xf32, #tpu.memory_space<vmem>>, vector<16xf32>,
          %mul3A_1041 = arith.mulf %get3A_1040, %broadcast_in_dim3A_1012 : vector<16xf32>
          %swap3A_1042 = arith.index_cast %add3A_1016 : i32 to index
          %swap3A_1043 = arith.constant 48 : index
          %swap3A_1044 = tpu.vector_load %arg13[%swap3A_1042, %swap3A_1043] {strides = array<i32>} : memref<80x128xf32, #tpu.memory_space<vmem>>, vector<16xf32>,
          tpu.vector_store %arg13[%swap3A_1042, %swap3A_1043], %mul3A_1041 {strides = array<i32>} : memref<80x128xf32, #tpu.memory_space<vmem>>, vector<16xf32>,
          %get3A_1045 = arith.index_cast %add3A_1016 : i32 to index
          %get3A_1046 = arith.constant 64 : index
          %get3A_1047 = tpu.vector_load %arg13[%get3A_1045, %get3A_1046] {strides = array<i32>} : memref<80x128xf32, #tpu.memory_space<vmem>>, vector<16xf32>,
          %mul3A_1048 = arith.mulf %get3A_1047, %broadcast_in_dim3A_1012 : vector<16xf32>
          %swap3A_1049 = arith.index_cast %add3A_1016 : i32 to index
          %swap3A_1050 = arith.constant 64 : index
          %swap3A_1051 = tpu.vector_load %arg13[%swap3A_1049, %swap3A_1050] {strides = array<i32>} : memref<80x128xf32, #tpu.memory_space<vmem>>, vector<16xf32>,
          tpu.vector_store %arg13[%swap3A_1049, %swap3A_1050], %mul3A_1048 {strides = array<i32>} : memref<80x128xf32, #tpu.memory_space<vmem>>, vector<16xf32>,
          %get3A_1052 = arith.index_cast %add3A_1016 : i32 to index
          %get3A_1053 = arith.constant 80 : index
          %get3A_1054 = tpu.vector_load %arg13[%get3A_1052, %get3A_1053] {strides = array<i32>} : memref<80x128xf32, #tpu.memory_space<vmem>>, vector<16xf32>,
          %mul3A_1055 = arith.mulf %get3A_1054, %broadcast_in_dim3A_1012 : vector<16xf32>
          %swap3A_1056 = arith.index_cast %add3A_1016 : i32 to index
          %swap3A_1057 = arith.constant 80 : index
          %swap3A_1058 = tpu.vector_load %arg13[%swap3A_1056, %swap3A_1057] {strides = array<i32>} : memref<80x128xf32, #tpu.memory_space<vmem>>, vector<16xf32>,
          tpu.vector_store %arg13[%swap3A_1056, %swap3A_1057], %mul3A_1055 {strides = array<i32>} : memref<80x128xf32, #tpu.memory_space<vmem>>, vector<16xf32>,
          %get3A_1059 = arith.index_cast %add3A_1016 : i32 to index
          %get3A_1060 = arith.constant 96 : index
          %get3A_1061 = tpu.vector_load %arg13[%get3A_1059, %get3A_1060] {strides = array<i32>} : memref<80x128xf32, #tpu.memory_space<vmem>>, vector<16xf32>,
          %mul3A_1062 = arith.mulf %get3A_1061, %broadcast_in_dim3A_1012 : vector<16xf32>
          %swap3A_1063 = arith.index_cast %add3A_1016 : i32 to index
          %swap3A_1064 = arith.constant 96 : index
          %swap3A_1065 = tpu.vector_load %arg13[%swap3A_1063, %swap3A_1064] {strides = array<i32>} : memref<80x128xf32, #tpu.memory_space<vmem>>, vector<16xf32>,
          tpu.vector_store %arg13[%swap3A_1063, %swap3A_1064], %mul3A_1062 {strides = array<i32>} : memref<80x128xf32, #tpu.memory_space<vmem>>, vector<16xf32>,
          %get3A_1066 = arith.index_cast %add3A_1016 : i32 to index
          %get3A_1067 = arith.constant 112 : index
          %get3A_1068 = tpu.vector_load %arg13[%get3A_1066, %get3A_1067] {strides = array<i32>} : memref<80x128xf32, #tpu.memory_space<vmem>>, vector<16xf32>,
          %mul3A_1069 = arith.mulf %get3A_1068, %broadcast_in_dim3A_1012 : vector<16xf32>
          %swap3A_1070 = arith.index_cast %add3A_1016 : i32 to index
          %swap3A_1071 = arith.constant 112 : index
          %swap3A_1072 = tpu.vector_load %arg13[%swap3A_1070, %swap3A_1071] {strides = array<i32>} : memref<80x128xf32, #tpu.memory_space<vmem>>, vector<16xf32>,
          tpu.vector_store %arg13[%swap3A_1070, %swap3A_1071], %mul3A_1069 {strides = array<i32>} : memref<80x128xf32, #tpu.memory_space<vmem>>, vector<16xf32>,
        }
        %scan3A_49 = arith.constant 5 : i32
        "tpu.region"() ({
          %run_scoped3A = tpu.sem_alloc : memref<!tpu.dma_semaphore, #tpu.memory_space<semaphore_mem>>
          %dma_start3A_50 = arith.constant 0 : i32
          %dma_start3A_51 = tpu.memref_slice %arg12[%scan3A_34, %dma_start3A_50] : memref<25x80xi32, #tpu.memory_space<vmem>> -> memref<1x80xi32, #tpu.memory_space<vmem>>
          %dma_start3A_52 = tpu.memref_squeeze %dma_start3A_51 : memref<1x80xi32, #tpu.memory_space<vmem>> -> memref<80xi32, #tpu.memory_space<vmem>>
          %dma_start3A_53 = arith.constant 0 : i32
          %dma_start3A_54 = arith.constant 0 : i32
          %dma_start3A_55 = tpu.memref_slice %arg8[%dma_start3A_53, %dma_start3A_54] : memref<10000x128xf32, #tpu.memory_space<vmem_shared>> -> memref<10000x128xf32, #tpu.memory_space<vmem_shared>>
          tpu.enqueue_indirect_dma source(%arg13 : memref<80x128xf32, #tpu.memory_space<vmem>>) target(%dma_start3A_55 : memref<10000x128xf32, #tpu.memory_space<vmem_shared>>) offsets(%dma_start3A_52 : memref<80xi32, #tpu.memory_space<vmem>>) semaphore(%run_scoped3A : memref<!tpu.dma_semaphore, #tpu.memory_space<semaphore_mem>>) {add = true}
          %dma_wait3A_56 = arith.constant 0 : i32
          %dma_wait3A_57 = tpu.memref_slice %arg12[%scan3A_34, %dma_wait3A_56] : memref<25x80xi32, #tpu.memory_space<vmem>> -> memref<1x80xi32, #tpu.memory_space<vmem>>
          %dma_wait3A_58 = tpu.memref_squeeze %dma_wait3A_57 : memref<1x80xi32, #tpu.memory_space<vmem>> -> memref<80xi32, #tpu.memory_space<vmem>>
          %dma_wait3A_59 = arith.constant 0 : i32
          %dma_wait3A_60 = arith.constant 0 : i32
          %dma_wait3A_61 = tpu.memref_slice %arg8[%dma_wait3A_59, %dma_wait3A_60] : memref<10000x128xf32, #tpu.memory_space<vmem_shared>> -> memref<10000x128xf32, #tpu.memory_space<vmem_shared>>
          tpu.wait_indirect_dma semaphore(%run_scoped3A : memref<!tpu.dma_semaphore, #tpu.memory_space<semaphore_mem>>) src(%arg13 : memref<80x128xf32, #tpu.memory_space<vmem>>) dst(%dma_wait3A_61 : memref<10000x128xf32, #tpu.memory_space<vmem_shared>>)
          tpu.yield
        }) : () -> ()
      }
      %scan3A_33 = arith.constant 25 : i32
    }
    %scan3A_19 = arith.constant 5 : i32
    %barrier3A_20 = arith.constant 0 : index
    tpu.barrier barrier_id(%barrier3A_20)
    %lt3A = arith.constant 15 : i32
    %lt3A_21 = arith.cmpi slt, %arg1, %lt3A : i32
    %convert_element_type3A = arith.extui %lt3A_21 : i1 to i32
    %cond3A = arith.constant 0 : i32
    %cond3A_22 = arith.cmpi ne, %convert_element_type3A, %cond3A : i32
    scf.if %cond3A_22 {
      %mul3A_28 = arith.constant 640 : i32
      %mul3A_29 = arith.muli %arg1, %mul3A_28 : i32
      %mul3A_30 = arith.constant 640 : i32
      %mul3A_31 = arith.muli %arg1, %mul3A_30 : i32
      "tpu.region"() ({
        %run_scoped3A = tpu.sem_alloc : memref<!tpu.dma_semaphore, #tpu.memory_space<semaphore_mem>>
        %dma_start3A = arith.constant 0 : i32
        %dma_start3A_32 = tpu.memref_slice %arg7[%arg0, %mul3A_31, %dma_start3A] : memref<2x10000x128xf32, #tpu.memory_space<hbm>> -> memref<1x640x128xf32, #tpu.memory_space<hbm>>
        %dma_start3A_33 = tpu.memref_squeeze %dma_start3A_32 : memref<1x640x128xf32, #tpu.memory_space<hbm>> -> memref<640x128xf32, #tpu.memory_space<hbm>>
        %dma_start3A_34 = arith.constant 0 : i32
        %dma_start3A_35 = tpu.memref_slice %arg8[%mul3A_29, %dma_start3A_34] : memref<10000x128xf32, #tpu.memory_space<vmem_shared>> -> memref<640x128xf32, #tpu.memory_space<vmem_shared>>
        tpu.enqueue_dma source(%dma_start3A_35 : memref<640x128xf32, #tpu.memory_space<vmem_shared>>) target(%dma_start3A_33 : memref<640x128xf32, #tpu.memory_space<hbm>>) target_semaphore(%run_scoped3A : memref<!tpu.dma_semaphore, #tpu.memory_space<semaphore_mem>>)
        %dma_wait3A = arith.constant 0 : i32
        %dma_wait3A_36 = tpu.memref_slice %arg7[%arg0, %mul3A_31, %dma_wait3A] : memref<2x10000x128xf32, #tpu.memory_space<hbm>> -> memref<1x640x128xf32, #tpu.memory_space<hbm>>
        %dma_wait3A_37 = tpu.memref_squeeze %dma_wait3A_36 : memref<1x640x128xf32, #tpu.memory_space<hbm>> -> memref<640x128xf32, #tpu.memory_space<hbm>>
        %dma_wait3A_38 = arith.constant 0 : i32
        %dma_wait3A_39 = tpu.memref_slice %arg8[%mul3A_29, %dma_wait3A_38] : memref<10000x128xf32, #tpu.memory_space<vmem_shared>> -> memref<640x128xf32, #tpu.memory_space<vmem_shared>>
        tpu.wait_dma2 semaphore(%run_scoped3A : memref<!tpu.dma_semaphore, #tpu.memory_space<semaphore_mem>>) src(%dma_wait3A_39 : memref<640x128xf32, #tpu.memory_space<vmem_shared>>) dst(%dma_wait3A_37 : memref<640x128xf32, #tpu.memory_space<hbm>>)
        tpu.yield
      }) : () -> ()
    } else {
    }
    %eq3A_23 = arith.constant 15 : i32
    %eq3A_24 = arith.cmpi eq, %arg1, %eq3A_23 : i32
    %convert_element_type3A_25 = arith.extui %eq3A_24 : i1 to i32
    %cond3A_26 = arith.constant 0 : i32
    %cond3A_27 = arith.cmpi ne, %convert_element_type3A_25, %cond3A_26 : i32
    scf.if %cond3A_27 {
      %mul3A_28 = arith.constant 640 : i32
      %mul3A_29 = arith.muli %arg1, %mul3A_28 : i32
      %mul3A_30 = arith.constant 640 : i32
      %mul3A_31 = arith.muli %arg1, %mul3A_30 : i32
      "tpu.region"() ({
        %run_scoped3A = tpu.sem_alloc : memref<!tpu.dma_semaphore, #tpu.memory_space<semaphore_mem>>
        %dma_start3A = arith.constant 0 : i32
        %dma_start3A_32 = tpu.memref_slice %arg7[%arg0, %mul3A_31, %dma_start3A] : memref<2x10000x128xf32, #tpu.memory_space<hbm>> -> memref<1x400x128xf32, #tpu.memory_space<hbm>>
        %dma_start3A_33 = tpu.memref_squeeze %dma_start3A_32 : memref<1x400x128xf32, #tpu.memory_space<hbm>> -> memref<400x128xf32, #tpu.memory_space<hbm>>
        %dma_start3A_34 = arith.constant 0 : i32
        %dma_start3A_35 = tpu.memref_slice %arg8[%mul3A_29, %dma_start3A_34] : memref<10000x128xf32, #tpu.memory_space<vmem_shared>> -> memref<400x128xf32, #tpu.memory_space<vmem_shared>>
        tpu.enqueue_dma source(%dma_start3A_35 : memref<400x128xf32, #tpu.memory_space<vmem_shared>>) target(%dma_start3A_33 : memref<400x128xf32, #tpu.memory_space<hbm>>) target_semaphore(%run_scoped3A : memref<!tpu.dma_semaphore, #tpu.memory_space<semaphore_mem>>)
        %dma_wait3A = arith.constant 0 : i32
        %dma_wait3A_36 = tpu.memref_slice %arg7[%arg0, %mul3A_31, %dma_wait3A] : memref<2x10000x128xf32, #tpu.memory_space<hbm>> -> memref<1x400x128xf32, #tpu.memory_space<hbm>>
        %dma_wait3A_37 = tpu.memref_squeeze %dma_wait3A_36 : memref<1x400x128xf32, #tpu.memory_space<hbm>> -> memref<400x128xf32, #tpu.memory_space<hbm>>
        %dma_wait3A_38 = arith.constant 0 : i32
        %dma_wait3A_39 = tpu.memref_slice %arg8[%mul3A_29, %dma_wait3A_38] : memref<10000x128xf32, #tpu.memory_space<vmem_shared>> -> memref<400x128xf32, #tpu.memory_space<vmem_shared>>
        tpu.wait_dma2 semaphore(%run_scoped3A : memref<!tpu.dma_semaphore, #tpu.memory_space<semaphore_mem>>) src(%dma_wait3A_39 : memref<400x128xf32, #tpu.memory_space<vmem_shared>>) dst(%dma_wait3A_37 : memref<400x128xf32, #tpu.memory_space<hbm>>)
        tpu.yield
      }) : () -> ()
    } else {
    }
    return
  }
}

module attributes {stable_mosaic.version = 14 : i64} {
  func.func @_pre_body(%arg0: i32, %arg1: memref<1000x128xf32, #tpu.memory_space<vmem>>, %arg2: memref<128x128xf32, #tpu.memory_space<vmem>>, %arg3: memref<1x128xf32, #tpu.memory_space<vmem>>, %arg4: memref<1x256xf32, #tpu.memory_space<vmem>>, %arg5: memref<1x1xf32, #tpu.memory_space<vmem>>, %arg6: memref<1000x128xf32, #tpu.memory_space<vmem>>, %arg7: memref<1000x2xf32, #tpu.memory_space<vmem>>) attributes {dimension_semantics = [#tpu.dimension_semantics<arbitrary>], iteration_bounds = array<i64: 10>, scalar_prefetch = 0 : i64, scratch_operands = 0 : i64, tpu.core_type = #tpu.core_type<tc>, window_params = [{transform_indices = @transform_0, window_bounds = array<i64: 1000, 128>}, {pipeline_mode = #tpu.pipeline_mode<synchronous>, transform_indices = @transform_1, window_bounds = array<i64: 128, 128>}, {pipeline_mode = #tpu.pipeline_mode<synchronous>, transform_indices = @transform_2, window_bounds = array<i64: 1, 128>}, {pipeline_mode = #tpu.pipeline_mode<synchronous>, transform_indices = @transform_3, window_bounds = array<i64: 1, 256>}, {pipeline_mode = #tpu.pipeline_mode<synchronous>, transform_indices = @transform_4, window_bounds = array<i64: 1, 1>}, {transform_indices = @transform_5, window_bounds = array<i64: 1000, 128>}, {transform_indices = @transform_6, window_bounds = array<i64: 1000, 2>}]} {
    %get3A = arith.constant 0 : index
    %get3A_0 = arith.constant 0 : index
    %get3A_1 = vector.load %arg1[%get3A, %get3A_0] : memref<1000x128xf32, #tpu.memory_space<vmem>>, vector<1000x128xf32>
    %get3A_2 = arith.constant 0 : index
    %get3A_3 = arith.constant 0 : index
    %get3A_4 = vector.load %arg2[%get3A_2, %get3A_3] : memref<128x128xf32, #tpu.memory_space<vmem>>, vector<128x128xf32>
    %dot_general3A = arith.constant dense<0.000000e+00> : vector<1000x128xf32>
    %dot_general3A_5 = tpu.matmul %get3A_1, %get3A_4, %dot_general3A {dimension_numbers = #tpu.dot_dimension_numbers<[1], [1], [0], [0], [0, 0, 1, 0], [], []>, transpose_lhs_hint = false} : vector<1000x128xf32>, vector<128x128xf32>, vector<1000x128xf32> -> vector<1000x128xf32>
    %get3A_6 = arith.constant 0 : index
    %get3A_7 = arith.constant 0 : index
    %get3A_8 = vector.load %arg3[%get3A_6, %get3A_7] : memref<1x128xf32, #tpu.memory_space<vmem>>, vector<1x128xf32>
    %add3A = vector.broadcast %get3A_8 : vector<1x128xf32> to vector<1000x128xf32>
    %add3A_9 = arith.addf %dot_general3A_5, %add3A : vector<1000x128xf32>
    %swap3A = arith.constant 0 : index
    %swap3A_10 = arith.constant 0 : index
    %swap3A_11 = vector.load %arg6[%swap3A, %swap3A_10] : memref<1000x128xf32, #tpu.memory_space<vmem>>, vector<1000x128xf32>
    tpu.vector_store %arg6[%swap3A, %swap3A_10], %add3A_9 {strides = array<i32>} : memref<1000x128xf32, #tpu.memory_space<vmem>>, vector<1000x128xf32>,
    %get3A_12 = arith.constant 0 : index
    %get3A_13 = arith.constant 0 : index
    %get3A_14 = vector.load %arg4[%get3A_12, %get3A_13] : memref<1x256xf32, #tpu.memory_space<vmem>>, vector<1x256xf32>
    %reshape3A = vector.shape_cast %get3A_14 : vector<1x256xf32> to vector<2x128xf32>
    %dot_general3A_15 = arith.constant dense<0.000000e+00> : vector<1000x2xf32>
    %dot_general3A_16 = tpu.matmul %get3A_1, %reshape3A, %dot_general3A_15 {dimension_numbers = #tpu.dot_dimension_numbers<[1], [1], [0], [0], [0, 0, 1, 0], [], []>, transpose_lhs_hint = false} : vector<1000x128xf32>, vector<2x128xf32>, vector<1000x2xf32> -> vector<1000x2xf32>
    %iota3A = tpu.iota {dimensions = array<i32: 1>} : vector<1x2xi32>
    %eq3A = arith.constant 0 : i32
    %eq3A_17 = vector.broadcast %eq3A : i32 to vector<1x2xi32>
    %eq3A_18 = arith.cmpi eq, %iota3A, %eq3A_17 : vector<1x2xi32>
    %convert_element_type3A = arith.extui %eq3A_18 : vector<1x2xi1> to vector<1x2xi32>
    %convert_element_type3A_19 = arith.sitofp %convert_element_type3A : vector<1x2xi32> to vector<1x2xf32>
    %get3A_20 = arith.constant 0 : index
    %get3A_21 = arith.constant 0 : index
    %get3A_22 = vector.load %arg5[%get3A_20, %get3A_21] : memref<1x1xf32, #tpu.memory_space<vmem>>, vector<1x1xf32>
    %get3A_23 = vector.extract %get3A_22[0, 0] : f32 from vector<1x1xf32>
    %mul3A = vector.broadcast %get3A_23 : f32 to vector<1x2xf32>
    %mul3A_24 = arith.mulf %mul3A, %convert_element_type3A_19 : vector<1x2xf32>
    %add3A_25 = vector.broadcast %mul3A_24 : vector<1x2xf32> to vector<1000x2xf32>
    %add3A_26 = arith.addf %dot_general3A_16, %add3A_25 : vector<1000x2xf32>
    %swap3A_27 = arith.constant 0 : index
    %swap3A_28 = arith.constant 0 : index
    %swap3A_29 = vector.load %arg7[%swap3A_27, %swap3A_28] : memref<1000x2xf32, #tpu.memory_space<vmem>>, vector<1000x2xf32>
    tpu.vector_store %arg7[%swap3A_27, %swap3A_28], %add3A_26 {strides = array<i32>} : memref<1000x2xf32, #tpu.memory_space<vmem>>, vector<1000x2xf32>,
    return
  }
  func.func @transform_0(%arg0: i32) -> (i32, i32) {
    %c0_i32 = arith.constant 0 : i32
    %c0_i32_0 = arith.constant 0 : i32
    return %arg0, %c0_i32 : i32, i32
  }
  func.func @transform_1(%arg0: i32) -> (i32, i32) {
    %c0_i32 = arith.constant 0 : i32
    %c0_i32_0 = arith.constant 0 : i32
    %c0_i32_1 = arith.constant 0 : i32
    return %c0_i32, %c0_i32_0 : i32, i32
  }
  func.func @transform_2(%arg0: i32) -> (i32, i32) {
    %c0_i32 = arith.constant 0 : i32
    %c0_i32_0 = arith.constant 0 : i32
    %c0_i32_1 = arith.constant 0 : i32
    return %c0_i32, %c0_i32_0 : i32, i32
  }
  func.func @transform_3(%arg0: i32) -> (i32, i32) {
    %c0_i32 = arith.constant 0 : i32
    %c0_i32_0 = arith.constant 0 : i32
    %c0_i32_1 = arith.constant 0 : i32
    return %c0_i32, %c0_i32_0 : i32, i32
  }
  func.func @transform_4(%arg0: i32) -> (i32, i32) {
    %c0_i32 = arith.constant 0 : i32
    %c0_i32_0 = arith.constant 0 : i32
    %c0_i32_1 = arith.constant 0 : i32
    return %c0_i32, %c0_i32_0 : i32, i32
  }
  func.func @transform_5(%arg0: i32) -> (i32, i32) {
    %c0_i32 = arith.constant 0 : i32
    %c0_i32_0 = arith.constant 0 : i32
    return %arg0, %c0_i32 : i32, i32
  }
  func.func @transform_6(%arg0: i32) -> (i32, i32) {
    %c0_i32 = arith.constant 0 : i32
    %c0_i32_0 = arith.constant 0 : i32
    return %arg0, %c0_i32 : i32, i32
  }
}

module attributes {stable_mosaic.version = 14 : i64} {
  func.func @_gru_body(%arg0: i32, %arg1: memref<2x1000x128xf32, #tpu.memory_space<vmem>>, %arg2: memref<1000x128xf32, #tpu.memory_space<vmem>>, %arg3: memref<128x384xf32, #tpu.memory_space<vmem>>, %arg4: memref<1x384xf32, #tpu.memory_space<vmem>>, %arg5: memref<128x384xf32, #tpu.memory_space<vmem>>, %arg6: memref<1x384xf32, #tpu.memory_space<vmem>>, %arg7: memref<1000x128xf32, #tpu.memory_space<vmem>>, %arg8: memref<2x128xf32, #tpu.memory_space<vmem>>, %arg9: memref<1x128xf32, #tpu.memory_space<vmem>>, %arg10: memref<1x128xf32, #tpu.memory_space<vmem>>) attributes {dimension_semantics = [#tpu.dimension_semantics<arbitrary>], iteration_bounds = array<i64: 10>, scalar_prefetch = 0 : i64, scratch_operands = 2 : i64, tpu.core_type = #tpu.core_type<tc>, window_params = [{transform_indices = @transform_0, window_bounds = array<i64: 2, 1000, 128>}, {transform_indices = @transform_1, window_bounds = array<i64: 1000, 128>}, {pipeline_mode = #tpu.pipeline_mode<synchronous>, transform_indices = @transform_2, window_bounds = array<i64: 128, 384>}, {pipeline_mode = #tpu.pipeline_mode<synchronous>, transform_indices = @transform_3, window_bounds = array<i64: 1, 384>}, {pipeline_mode = #tpu.pipeline_mode<synchronous>, transform_indices = @transform_4, window_bounds = array<i64: 128, 384>}, {pipeline_mode = #tpu.pipeline_mode<synchronous>, transform_indices = @transform_5, window_bounds = array<i64: 1, 384>}, {transform_indices = @transform_6, window_bounds = array<i64: 1000, 128>}, {pipeline_mode = #tpu.pipeline_mode<synchronous>, transform_indices = @transform_7, window_bounds = array<i64: 2, 128>}]} {
    %get3A = arith.constant 0 : index
    %get3A_0 = arith.constant 0 : index
    %get3A_1 = arith.constant 0 : index
    %get3A_2 = vector.load %arg1[%get3A, %get3A_0, %get3A_1] : memref<2x1000x128xf32, #tpu.memory_space<vmem>>, vector<1x1000x128xf32>
    %get3A_3 = vector.shape_cast %get3A_2 : vector<1x1000x128xf32> to vector<1000x128xf32>
    %get3A_4 = arith.constant 1 : index
    %get3A_5 = arith.constant 0 : index
    %get3A_6 = arith.constant 0 : index
    %get3A_7 = vector.load %arg1[%get3A_4, %get3A_5, %get3A_6] : memref<2x1000x128xf32, #tpu.memory_space<vmem>>, vector<1x1000x128xf32>
    %get3A_8 = vector.shape_cast %get3A_7 : vector<1x1000x128xf32> to vector<1000x128xf32>
    %add3A = arith.addf %get3A_3, %get3A_8 : vector<1000x128xf32>
    %get3A_9 = arith.constant 0 : index
    %get3A_10 = arith.constant 0 : index
    %get3A_11 = vector.load %arg2[%get3A_9, %get3A_10] : memref<1000x128xf32, #tpu.memory_space<vmem>>, vector<1000x128xf32>
    %get3A_12 = arith.constant 0 : index
    %get3A_13 = arith.constant 0 : index
    %get3A_14 = vector.load %arg3[%get3A_12, %get3A_13] : memref<128x384xf32, #tpu.memory_space<vmem>>, vector<128x384xf32>
    %dot_general3A = arith.constant dense<0.000000e+00> : vector<1000x384xf32>
    %dot_general3A_15 = tpu.matmul %add3A, %get3A_14, %dot_general3A {dimension_numbers = #tpu.dot_dimension_numbers<[1], [0], [0], [1], [0, 0, 1, 1], [], []>, transpose_lhs_hint = false} : vector<1000x128xf32>, vector<128x384xf32>, vector<1000x384xf32> -> vector<1000x384xf32>
    %get3A_16 = arith.constant 0 : index
    %get3A_17 = arith.constant 0 : index
    %get3A_18 = vector.load %arg4[%get3A_16, %get3A_17] : memref<1x384xf32, #tpu.memory_space<vmem>>, vector<1x384xf32>
    %add3A_19 = vector.broadcast %get3A_18 : vector<1x384xf32> to vector<1000x384xf32>
    %add3A_20 = arith.addf %dot_general3A_15, %add3A_19 : vector<1000x384xf32>
    %get3A_21 = arith.constant 0 : index
    %get3A_22 = arith.constant 0 : index
    %get3A_23 = vector.load %arg5[%get3A_21, %get3A_22] : memref<128x384xf32, #tpu.memory_space<vmem>>, vector<128x384xf32>
    %dot_general3A_24 = arith.constant dense<0.000000e+00> : vector<1000x384xf32>
    %dot_general3A_25 = tpu.matmul %get3A_11, %get3A_23, %dot_general3A_24 {dimension_numbers = #tpu.dot_dimension_numbers<[1], [0], [0], [1], [0, 0, 1, 1], [], []>, transpose_lhs_hint = false} : vector<1000x128xf32>, vector<128x384xf32>, vector<1000x384xf32> -> vector<1000x384xf32>
    %get3A_26 = arith.constant 0 : index
    %get3A_27 = arith.constant 0 : index
    %get3A_28 = vector.load %arg6[%get3A_26, %get3A_27] : memref<1x384xf32, #tpu.memory_space<vmem>>, vector<1x384xf32>
    %add3A_29 = vector.broadcast %get3A_28 : vector<1x384xf32> to vector<1000x384xf32>
    %add3A_30 = arith.addf %dot_general3A_25, %add3A_29 : vector<1000x384xf32>
    %slice3A = vector.extract_strided_slice %add3A_20 {offsets = [0, 0], sizes = [1000, 128], strides = [1, 1]} : vector<1000x384xf32> to vector<1000x128xf32>
    %slice3A_31 = vector.extract_strided_slice %add3A_30 {offsets = [0, 0], sizes = [1000, 128], strides = [1, 1]} : vector<1000x384xf32> to vector<1000x128xf32>
    %add3A_32 = arith.addf %slice3A, %slice3A_31 : vector<1000x128xf32>
    %logistic3A = arith.negf %add3A_32 : vector<1000x128xf32>
    %logistic3A_33 = math.exp %logistic3A : vector<1000x128xf32>
    %logistic3A_34 = arith.constant 1.000000e+00 : f32
    %logistic3A_35 = vector.broadcast %logistic3A_34 : f32 to vector<1000x128xf32>
    %logistic3A_36 = arith.addf %logistic3A_35, %logistic3A_33 : vector<1000x128xf32>
    %logistic3A_37 = arith.divf %logistic3A_35, %logistic3A_36 : vector<1000x128xf32>
    %slice3A_38 = vector.extract_strided_slice %add3A_20 {offsets = [0, 128], sizes = [1000, 128], strides = [1, 1]} : vector<1000x384xf32> to vector<1000x128xf32>
    %slice3A_39 = vector.extract_strided_slice %add3A_30 {offsets = [0, 128], sizes = [1000, 128], strides = [1, 1]} : vector<1000x384xf32> to vector<1000x128xf32>
    %add3A_40 = arith.addf %slice3A_38, %slice3A_39 : vector<1000x128xf32>
    %logistic3A_41 = arith.negf %add3A_40 : vector<1000x128xf32>
    %logistic3A_42 = math.exp %logistic3A_41 : vector<1000x128xf32>
    %logistic3A_43 = arith.constant 1.000000e+00 : f32
    %logistic3A_44 = vector.broadcast %logistic3A_43 : f32 to vector<1000x128xf32>
    %logistic3A_45 = arith.addf %logistic3A_44, %logistic3A_42 : vector<1000x128xf32>
    %logistic3A_46 = arith.divf %logistic3A_44, %logistic3A_45 : vector<1000x128xf32>
    %slice3A_47 = vector.extract_strided_slice %add3A_20 {offsets = [0, 256], sizes = [1000, 128], strides = [1, 1]} : vector<1000x384xf32> to vector<1000x128xf32>
    %slice3A_48 = vector.extract_strided_slice %add3A_30 {offsets = [0, 256], sizes = [1000, 128], strides = [1, 1]} : vector<1000x384xf32> to vector<1000x128xf32>
    %mul3A = arith.mulf %logistic3A_37, %slice3A_48 : vector<1000x128xf32>
    %add3A_49 = arith.addf %slice3A_47, %mul3A : vector<1000x128xf32>
    %tanh3A = math.tanh %add3A_49 : vector<1000x128xf32>
    %sub3A = arith.constant 1.000000e+00 : f32
    %sub3A_50 = vector.broadcast %sub3A : f32 to vector<1000x128xf32>
    %sub3A_51 = arith.subf %sub3A_50, %logistic3A_46 : vector<1000x128xf32>
    %mul3A_52 = arith.mulf %sub3A_51, %tanh3A : vector<1000x128xf32>
    %mul3A_53 = arith.mulf %logistic3A_46, %get3A_11 : vector<1000x128xf32>
    %add3A_54 = arith.addf %mul3A_52, %mul3A_53 : vector<1000x128xf32>
    %swap3A = arith.constant 0 : index
    %swap3A_55 = arith.constant 0 : index
    %swap3A_56 = vector.load %arg7[%swap3A, %swap3A_55] : memref<1000x128xf32, #tpu.memory_space<vmem>>, vector<1000x128xf32>
    tpu.vector_store %arg7[%swap3A, %swap3A_55], %add3A_54 {strides = array<i32>} : memref<1000x128xf32, #tpu.memory_space<vmem>>, vector<1000x128xf32>,
    %eq3A = arith.constant 0 : i32
    %eq3A_57 = arith.cmpi eq, %arg0, %eq3A : i32
    %convert_element_type3A = arith.extui %eq3A_57 : i1 to i32
    %cond3A = arith.constant 0 : i32
    %cond3A_58 = arith.cmpi ne, %convert_element_type3A, %cond3A : i32
    scf.if %cond3A_58 {
      %broadcast_in_dim3A_83 = arith.constant 0.000000e+00 : f32
      %broadcast_in_dim3A_84 = vector.broadcast %broadcast_in_dim3A_83 : f32 to vector<1x128xf32>
      %swap3A_85 = arith.constant 0 : index
      %swap3A_86 = arith.constant 0 : index
      %swap3A_87 = vector.load %arg9[%swap3A_85, %swap3A_86] : memref<1x128xf32, #tpu.memory_space<vmem>>, vector<1x128xf32>
      tpu.vector_store %arg9[%swap3A_85, %swap3A_86], %broadcast_in_dim3A_84 {strides = array<i32>} : memref<1x128xf32, #tpu.memory_space<vmem>>, vector<1x128xf32>,
      %broadcast_in_dim3A_88 = arith.constant 0.000000e+00 : f32
      %broadcast_in_dim3A_89 = vector.broadcast %broadcast_in_dim3A_88 : f32 to vector<1x128xf32>
      %swap3A_90 = arith.constant 0 : index
      %swap3A_91 = arith.constant 0 : index
      %swap3A_92 = vector.load %arg10[%swap3A_90, %swap3A_91] : memref<1x128xf32, #tpu.memory_space<vmem>>, vector<1x128xf32>
      tpu.vector_store %arg10[%swap3A_90, %swap3A_91], %broadcast_in_dim3A_89 {strides = array<i32>} : memref<1x128xf32, #tpu.memory_space<vmem>>, vector<1x128xf32>,
    } else {
    }
    %get3A_59 = arith.constant 0 : index
    %get3A_60 = arith.constant 0 : index
    %get3A_61 = vector.load %arg9[%get3A_59, %get3A_60] : memref<1x128xf32, #tpu.memory_space<vmem>>, vector<1x128xf32>
    %reduce_sum3A = arith.constant dense<0.000000e+00> : vector<128xf32>
    %reduce_sum3A_62 = vector.multi_reduction <add>, %add3A_54, %reduce_sum3A [0] : vector<1000x128xf32> to vector<128xf32>
    %broadcast_in_dim3A = vector.shape_cast %reduce_sum3A_62 : vector<128xf32> to vector<1x128xf32>
    %add3A_63 = arith.addf %get3A_61, %broadcast_in_dim3A : vector<1x128xf32>
    %swap3A_64 = arith.constant 0 : index
    %swap3A_65 = arith.constant 0 : index
    %swap3A_66 = vector.load %arg9[%swap3A_64, %swap3A_65] : memref<1x128xf32, #tpu.memory_space<vmem>>, vector<1x128xf32>
    tpu.vector_store %arg9[%swap3A_64, %swap3A_65], %add3A_63 {strides = array<i32>} : memref<1x128xf32, #tpu.memory_space<vmem>>, vector<1x128xf32>,
    %get3A_67 = arith.constant 0 : index
    %get3A_68 = arith.constant 0 : index
    %get3A_69 = vector.load %arg10[%get3A_67, %get3A_68] : memref<1x128xf32, #tpu.memory_space<vmem>>, vector<1x128xf32>
    %mul3A_70 = arith.mulf %add3A_54, %add3A_54 : vector<1000x128xf32>
    %reduce_sum3A_71 = arith.constant dense<0.000000e+00> : vector<128xf32>
    %reduce_sum3A_72 = vector.multi_reduction <add>, %mul3A_70, %reduce_sum3A_71 [0] : vector<1000x128xf32> to vector<128xf32>
    %broadcast_in_dim3A_73 = vector.shape_cast %reduce_sum3A_72 : vector<128xf32> to vector<1x128xf32>
    %add3A_74 = arith.addf %get3A_69, %broadcast_in_dim3A_73 : vector<1x128xf32>
    %swap3A_75 = arith.constant 0 : index
    %swap3A_76 = arith.constant 0 : index
    %swap3A_77 = vector.load %arg10[%swap3A_75, %swap3A_76] : memref<1x128xf32, #tpu.memory_space<vmem>>, vector<1x128xf32>
    tpu.vector_store %arg10[%swap3A_75, %swap3A_76], %add3A_74 {strides = array<i32>} : memref<1x128xf32, #tpu.memory_space<vmem>>, vector<1x128xf32>,
    %eq3A_78 = arith.constant 9 : i32
    %eq3A_79 = arith.cmpi eq, %arg0, %eq3A_78 : i32
    %convert_element_type3A_80 = arith.extui %eq3A_79 : i1 to i32
    %cond3A_81 = arith.constant 0 : i32
    %cond3A_82 = arith.cmpi ne, %convert_element_type3A_80, %cond3A_81 : i32
    scf.if %cond3A_82 {
      %get3A_83 = arith.constant 0 : index
      %get3A_84 = arith.constant 0 : index
      %get3A_85 = vector.load %arg9[%get3A_83, %get3A_84] : memref<1x128xf32, #tpu.memory_space<vmem>>, vector<1x128xf32>
      %swap3A_86 = arith.constant 0 : index
      %swap3A_87 = arith.constant 0 : index
      %swap3A_88 = vector.load %arg8[%swap3A_86, %swap3A_87] : memref<2x128xf32, #tpu.memory_space<vmem>>, vector<1x128xf32>
      tpu.vector_store %arg8[%swap3A_86, %swap3A_87], %get3A_85 {strides = array<i32>} : memref<2x128xf32, #tpu.memory_space<vmem>>, vector<1x128xf32>,
      %get3A_89 = arith.constant 0 : index
      %get3A_90 = arith.constant 0 : index
      %get3A_91 = vector.load %arg10[%get3A_89, %get3A_90] : memref<1x128xf32, #tpu.memory_space<vmem>>, vector<1x128xf32>
      %swap3A_92 = arith.constant 1 : index
      %swap3A_93 = arith.constant 0 : index
      %swap3A_94 = vector.load %arg8[%swap3A_92, %swap3A_93] : memref<2x128xf32, #tpu.memory_space<vmem>>, vector<1x128xf32>
      tpu.vector_store %arg8[%swap3A_92, %swap3A_93], %get3A_91 {strides = array<i32>} : memref<2x128xf32, #tpu.memory_space<vmem>>, vector<1x128xf32>,
    } else {
    }
    return
  }
  func.func @transform_0(%arg0: i32) -> (i32, i32, i32) {
    %c0_i32 = arith.constant 0 : i32
    %c0_i32_0 = arith.constant 0 : i32
    %c0_i32_1 = arith.constant 0 : i32
    return %c0_i32, %arg0, %c0_i32_0 : i32, i32, i32
  }
  func.func @transform_1(%arg0: i32) -> (i32, i32) {
    %c0_i32 = arith.constant 0 : i32
    %c0_i32_0 = arith.constant 0 : i32
    return %arg0, %c0_i32 : i32, i32
  }
  func.func @transform_2(%arg0: i32) -> (i32, i32) {
    %c0_i32 = arith.constant 0 : i32
    %c0_i32_0 = arith.constant 0 : i32
    %c0_i32_1 = arith.constant 0 : i32
    return %c0_i32, %c0_i32_0 : i32, i32
  }
  func.func @transform_3(%arg0: i32) -> (i32, i32) {
    %c0_i32 = arith.constant 0 : i32
    %c0_i32_0 = arith.constant 0 : i32
    %c0_i32_1 = arith.constant 0 : i32
    return %c0_i32, %c0_i32_0 : i32, i32
  }
  func.func @transform_4(%arg0: i32) -> (i32, i32) {
    %c0_i32 = arith.constant 0 : i32
    %c0_i32_0 = arith.constant 0 : i32
    %c0_i32_1 = arith.constant 0 : i32
    return %c0_i32, %c0_i32_0 : i32, i32
  }
  func.func @transform_5(%arg0: i32) -> (i32, i32) {
    %c0_i32 = arith.constant 0 : i32
    %c0_i32_0 = arith.constant 0 : i32
    %c0_i32_1 = arith.constant 0 : i32
    return %c0_i32, %c0_i32_0 : i32, i32
  }
  func.func @transform_6(%arg0: i32) -> (i32, i32) {
    %c0_i32 = arith.constant 0 : i32
    %c0_i32_0 = arith.constant 0 : i32
    return %arg0, %c0_i32 : i32, i32
  }
  func.func @transform_7(%arg0: i32) -> (i32, i32) {
    %c0_i32 = arith.constant 0 : i32
    %c0_i32_0 = arith.constant 0 : i32
    %c0_i32_1 = arith.constant 0 : i32
    return %c0_i32, %c0_i32_0 : i32, i32
  }
}

module attributes {stable_mosaic.version = 14 : i64} {
  func.func @_norm_body(%arg0: i32, %arg1: memref<1000x128xf32, #tpu.memory_space<vmem>>, %arg2: memref<2x128xf32, #tpu.memory_space<vmem>>, %arg3: memref<1x128xf32, #tpu.memory_space<vmem>>, %arg4: memref<1x128xf32, #tpu.memory_space<vmem>>, %arg5: memref<1000x128xf32, #tpu.memory_space<vmem>>) attributes {dimension_semantics = [#tpu.dimension_semantics<arbitrary>], iteration_bounds = array<i64: 10>, scalar_prefetch = 0 : i64, scratch_operands = 0 : i64, tpu.core_type = #tpu.core_type<tc>, window_params = [{transform_indices = @transform_0, window_bounds = array<i64: 1000, 128>}, {pipeline_mode = #tpu.pipeline_mode<synchronous>, transform_indices = @transform_1, window_bounds = array<i64: 2, 128>}, {pipeline_mode = #tpu.pipeline_mode<synchronous>, transform_indices = @transform_2, window_bounds = array<i64: 1, 128>}, {pipeline_mode = #tpu.pipeline_mode<synchronous>, transform_indices = @transform_3, window_bounds = array<i64: 1, 128>}, {transform_indices = @transform_4, window_bounds = array<i64: 1000, 128>}]} {
    %get3A = arith.constant 0 : index
    %get3A_0 = arith.constant 0 : index
    %get3A_1 = vector.load %arg2[%get3A, %get3A_0] : memref<2x128xf32, #tpu.memory_space<vmem>>, vector<1x128xf32>
    %div3A = arith.constant 1.000000e+04 : f32
    %div3A_2 = vector.broadcast %div3A : f32 to vector<1x128xf32>
    %div3A_3 = arith.divf %get3A_1, %div3A_2 : vector<1x128xf32>
    %get3A_4 = arith.constant 1 : index
    %get3A_5 = arith.constant 0 : index
    %get3A_6 = vector.load %arg2[%get3A_4, %get3A_5] : memref<2x128xf32, #tpu.memory_space<vmem>>, vector<1x128xf32>
    %div3A_7 = arith.constant 1.000000e+04 : f32
    %div3A_8 = vector.broadcast %div3A_7 : f32 to vector<1x128xf32>
    %div3A_9 = arith.divf %get3A_6, %div3A_8 : vector<1x128xf32>
    %mul3A = arith.mulf %div3A_3, %div3A_3 : vector<1x128xf32>
    %sub3A = arith.subf %div3A_9, %mul3A : vector<1x128xf32>
    %add3A = arith.constant 9.99999974E-6 : f32
    %add3A_10 = vector.broadcast %add3A : f32 to vector<1x128xf32>
    %add3A_11 = arith.addf %sub3A, %add3A_10 : vector<1x128xf32>
    %rsqrt3A = math.rsqrt %add3A_11 : vector<1x128xf32>
    %get3A_12 = arith.constant 0 : index
    %get3A_13 = arith.constant 0 : index
    %get3A_14 = vector.load %arg1[%get3A_12, %get3A_13] : memref<1000x128xf32, #tpu.memory_space<vmem>>, vector<1000x128xf32>
    %sub3A_15 = vector.broadcast %div3A_3 : vector<1x128xf32> to vector<1000x128xf32>
    %sub3A_16 = arith.subf %get3A_14, %sub3A_15 : vector<1000x128xf32>
    %get3A_17 = arith.constant 0 : index
    %get3A_18 = arith.constant 0 : index
    %get3A_19 = vector.load %arg3[%get3A_17, %get3A_18] : memref<1x128xf32, #tpu.memory_space<vmem>>, vector<1x128xf32>
    %mul3A_20 = arith.mulf %rsqrt3A, %get3A_19 : vector<1x128xf32>
    %mul3A_21 = vector.broadcast %mul3A_20 : vector<1x128xf32> to vector<1000x128xf32>
    %mul3A_22 = arith.mulf %sub3A_16, %mul3A_21 : vector<1000x128xf32>
    %get3A_23 = arith.constant 0 : index
    %get3A_24 = arith.constant 0 : index
    %get3A_25 = vector.load %arg4[%get3A_23, %get3A_24] : memref<1x128xf32, #tpu.memory_space<vmem>>, vector<1x128xf32>
    %add3A_26 = vector.broadcast %get3A_25 : vector<1x128xf32> to vector<1000x128xf32>
    %add3A_27 = arith.addf %mul3A_22, %add3A_26 : vector<1000x128xf32>
    %swap3A = arith.constant 0 : index
    %swap3A_28 = arith.constant 0 : index
    %swap3A_29 = vector.load %arg5[%swap3A, %swap3A_28] : memref<1000x128xf32, #tpu.memory_space<vmem>>, vector<1000x128xf32>
    tpu.vector_store %arg5[%swap3A, %swap3A_28], %add3A_27 {strides = array<i32>} : memref<1000x128xf32, #tpu.memory_space<vmem>>, vector<1000x128xf32>,
    return
  }
  func.func @transform_0(%arg0: i32) -> (i32, i32) {
    %c0_i32 = arith.constant 0 : i32
    %c0_i32_0 = arith.constant 0 : i32
    return %arg0, %c0_i32 : i32, i32
  }
  func.func @transform_1(%arg0: i32) -> (i32, i32) {
    %c0_i32 = arith.constant 0 : i32
    %c0_i32_0 = arith.constant 0 : i32
    %c0_i32_1 = arith.constant 0 : i32
    return %c0_i32, %c0_i32_0 : i32, i32
  }
  func.func @transform_2(%arg0: i32) -> (i32, i32) {
    %c0_i32 = arith.constant 0 : i32
    %c0_i32_0 = arith.constant 0 : i32
    %c0_i32_1 = arith.constant 0 : i32
    return %c0_i32, %c0_i32_0 : i32, i32
  }
  func.func @transform_3(%arg0: i32) -> (i32, i32) {
    %c0_i32 = arith.constant 0 : i32
    %c0_i32_0 = arith.constant 0 : i32
    %c0_i32_1 = arith.constant 0 : i32
    return %c0_i32, %c0_i32_0 : i32, i32
  }
  func.func @transform_4(%arg0: i32) -> (i32, i32) {
    %c0_i32 = arith.constant 0 : i32
    %c0_i32_0 = arith.constant 0 : i32
    return %arg0, %c0_i32 : i32, i32
  }
}

</mosaic_0001>

<sc_bundles>
// kernel: kernel.6.cloned.1.call-start
scs
__scs_entry_jumppad:
0x0: {  	(pc) =	sbr.rel $0x88, $3  }
0x1: {  	(tag) =	ssettag $0x0;
	lr =	simm.s32 $0x1  }
0x2: {  	[smem:$0x3F95] =	sst lr;
	_ =	strace $0xD0000000  }
0x3: {  	_ = 	snop  }
0x4: {  	_ = 	snop  }
0x5: {  	_ = 	snop  }
0x6: {  	_ = 	snop  }
0x7: {  	_ = 	snop  }
__scs_overlays_trampoline_lowered:
0x8: {  	[smem:$0x3FA4] =	sst s0  }
0x9: {  	[smem:$0x3FA5] =	sst s1  }
0xa: {  	[smem:$0x3FA6] =	sst s2  }
0xb: {  	[smem:$0x3FA7] =	sst s3  }
0xc: {  	[smem:$0x3FA8] =	sst s4  }
0xd: {  	[smem:$0x3FA9] =	sst s5  }
0xe: {  	[smem:$0x3FAA] =	sst s6  }
0xf: {  	[smem:$0x3FAB] =	sst s7  }
0x10: {  	[smem:$0x3FAC] =	sst s8  }
0x11: {  	[smem:$0x3FAD] =	sst s9;
	s0 =	simm.s32 @!p0 $0x0  }
0x12: {  	s1 =	sld [smem:$0x3F93];
	s0 =	simm.s32 @p0 $0x1  }
0x13: {  	[smem:$0x3FAE] =	sst s0;
	s0 =	simm.s32 @!p1 $0x0  }
0x14: {  	s2 =	sld [smem:$0x3F92];
	s0 =	simm.s32 @p1 $0x1  }
0x15: {  	[smem:$0x3FAF] =	sst s0;
	s0 =	simm.s32 @!p2 $0x0  }
0x16: {  	s3 =	sld [smem:$0x3FDB];
	s0 =	simm.s32 @p2 $0x1  }
0x17: {  	s4 =	simm.s32 $0x1BF5;
	[smem:$0x3FB1] =	sst s0  }
0x18: {  	s0 =	sld [smem:$0x3F94];
	_ =	swait.ge [sflag:s4], $0x0  }
0x19: {  	s7 =	sld [smem:$0x3F95]  }
0x1a: {  	s8 =	sadd.s32 $0xFFFFE003, lr  }
0x1b: {  	s9 =	sadd.s32 $0xFFFFFEF7, lr;
	s5 =	simm.s32 $0xFFFFFFFF;
	p2 =	slt.u32 s8, $0xFFFFF086  }
0x1c: {  	p1 =	slt.u32 s9, $0xF7A;
	s5 =	simm.s32 @!p2 $0x0  }
0x1d: {  	s5 =	simm.s32 @p1 $0x1;
	p0 =	seq.s32 s7, s2  }
0x1e: {  	s7 =	smul.u32 @!p0 $0xF7A, s2;
	p2 =	seq.s32 @!p0 s5, $0x0  }
0x1f: {  	s9 =	smul.u32 $0xF7A, s1;
	s8 =	simm.s32 @!p0 $0x1BF5;
	p2 =	por !p2, p0  }
0x20: {  	[sflag:s8] =	ssyncset.s32 @!p0 $0xFFFFF086;
	s6 =	sadd.s32 @!p0 s3, s7;
	s7 =	simm.s32 @!p0 $0x108  }
0x21: {  	s3 =	sadd.s32 s3, s9;
	s6 =	sadd.s32 @!p0 $0x88, s6;
	s7 =	simm.s32 @p2 $0x1082  }
0x22: {  	[simem:s7], [sflag:s8] =	dma.local @!p0 [hbm:s6], $0xF7A  }
0x23: {  	s9 =	sor.u32 $0xD0000000, s2;
	s6 =	simm.s32 $0x108;
	_ =	swait.ge @!p0 [sflag:s8], $0x0  }
0x24: {  	s3 =	sadd.s32 $0x88, s3;
	s6 =	simm.s32 @!p1 $0x1082;
	[sflag:s4] =	ssyncset.s32 $0xFFFFF086  }
0x25: {  	[simem:s6], [sflag:s4] =	dma.local [hbm:s3], $0xF7A  }
0x26: {  	[smem:$0x3F95] =	sst s1;
	(tag) =	ssettag s2;
	_ =	strace s9  }
0x27: {  	s1 =	sld [smem:$0x3FA5]  }
0x28: {  	s2 =	sld [smem:$0x3FA6]  }
0x29: {  	s4 =	sld [smem:$0x3FA8]  }
0x2a: {  	p0 =	seq.s32 s5, $0x0;
	s5 =	sld [smem:$0x3FA9]  }
0x2b: {  	s6 =	sld [smem:$0x3FAA]  }
0x2c: {  	s7 =	sld [smem:$0x3FAB]  }
0x2d: {  	s3 =	simm.s32 $0x108;
	s8 =	sld [smem:$0x3FAC]  }
0x2e: {  	s3 =	simm.s32 @!p0 $0x1082;
	s9 =	sld [smem:$0x3FAD]  }
0x2f: {  	lr =	sadd.s32 s0, s3;
	s0 =	sld [smem:$0x3FA4]  }
0x30: {  	s3 =	sld [smem:$0x3FA7]  }
0x31: {  	[smem:$0x3FB0] =	sst s10  }
0x32: {  	s10 =	sld [smem:$0x3FAE];
	_ =	sdelay $0x3  }
0x33: {  	p0 =	seq.s32 s10, $0x1;
	s10 =	sld [smem:$0x3FB0];
	_ =	sdelay $0x3  }
0x34: {  	[smem:$0x3FB0] =	sst s10  }
0x35: {  	s10 =	sld [smem:$0x3FAF];
	_ =	sdelay $0x3  }
0x36: {  	p1 =	seq.s32 s10, $0x1;
	s10 =	sld [smem:$0x3FB0];
	_ =	sdelay $0x3  }
0x37: {  	[smem:$0x3FB0] =	sst s10  }
0x38: {  	s10 =	sld [smem:$0x3FB1]  }
0x39: {  	_ = 	snop;
	(pc) =	sbr.ind lr, $3  }
0x3a: {  	_ = 	snop  }
0x3b: {  	_ = 	snop  }
0x3c: {  	p2 =	seq.s32 s10, $0x1;
	s10 =	sld [smem:$0x3FB0]  }
0x3d: {  	_ =	shalt  }
0x3e: {  	_ =	shalt  }
0x3f: {  	_ =	shalt  }
0x40: {  	_ =	shalt  }
0x41: {  	_ =	shalt  }
0x42: {  	_ =	shalt  }
0x43: {  	_ =	shalt  }
0x44: {  	_ =	shalt  }
0x45: {  	_ =	shalt  }
0x46: {  	_ =	shalt  }
0x47: {  	_ =	shalt  }
0x48: {  	_ =	shalt  }
0x49: {  	_ =	shalt  }
0x4a: {  	_ =	shalt  }
0x4b: {  	_ =	shalt  }
0x4c: {  	_ =	shalt  }
0x4d: {  	_ =	shalt  }
0x4e: {  	_ =	shalt  }
0x4f: {  	_ =	shalt  }
0x50: {  	_ =	shalt  }
0x51: {  	_ =	shalt  }
0x52: {  	_ =	shalt  }
0x53: {  	_ =	shalt  }
0x54: {  	_ =	shalt  }
0x55: {  	_ =	shalt  }
0x56: {  	_ =	shalt  }
0x57: {  	_ =	shalt  }
0x58: {  	_ =	shalt  }
0x59: {  	_ =	shalt  }
0x5a: {  	_ =	shalt  }
0x5b: {  	_ =	shalt  }
0x5c: {  	_ =	shalt  }
0x5d: {  	_ =	shalt  }
0x5e: {  	_ =	shalt  }
0x5f: {  	_ =	shalt  }
0x60: {  	_ =	shalt  }
0x61: {  	_ =	shalt  }
0x62: {  	_ =	shalt  }
0x63: {  	_ =	shalt  }
0x64: {  	_ =	shalt  }
0x65: {  	_ =	shalt  }
0x66: {  	_ =	shalt  }
0x67: {  	_ =	shalt  }
0x68: {  	_ =	shalt  }
0x69: {  	_ =	shalt  }
0x6a: {  	_ =	shalt  }
0x6b: {  	_ =	shalt  }
0x6c: {  	_ =	shalt  }
0x6d: {  	_ =	shalt  }
0x6e: {  	_ =	shalt  }
0x6f: {  	_ =	shalt  }
0x70: {  	_ =	shalt  }
0x71: {  	_ =	shalt  }
0x72: {  	_ =	shalt  }
0x73: {  	_ =	shalt  }
0x74: {  	_ =	shalt  }
0x75: {  	_ =	shalt  }
0x76: {  	_ =	shalt  }
0x77: {  	_ =	shalt  }
0x78: {  	_ =	shalt  }
0x79: {  	_ =	shalt  }
0x7a: {  	_ =	shalt  }
0x7b: {  	_ =	shalt  }
0x7c: {  	_ =	shalt  }
0x7d: {  	_ =	shalt  }
0x7e: {  	_ =	shalt  }
0x7f: {  	_ =	shalt  }
0x80: {  	_ =	shalt  }
0x81: {  	_ =	shalt  }
0x82: {  	_ =	shalt  }
0x83: {  	_ =	shalt  }
0x84: {  	_ =	shalt  }
0x85: {  	_ =	shalt  }
0x86: {  	_ =	shalt  }
0x87: {  	_ =	shalt  }
.Lfunc_end0:
.L_simem_size_0:
called_computation_lowered:
.L_overlay_start_0:
0x88: {  	s2 =	sld [smem:$0x3FD9]  }
0x89: {  	s3 =	sld [smem:$0x3FFE];
	_ =	sdelay $0x1  }
0x8a: {  	s1 =	srdreg.scid  }
0x8b: {  	s0 =	sand.u32 $0x1, s1  }
0x8c: {  	s17 =	sshll.u32 s0, $0xA;
	s2 =	sadd.s32 s3, s2  }
0x8d: {  	s2 =	sadd.s32 s2, s17  }
0x8e: {  	[smem:$0x3FBC] =	sst s2  }
0x8f: {  	_ = 	snop  }
0x90: {  	s2 =	sld [smem:$0x3FD0];
	(tm) =	ssettm $0x1  }
0x91: {  	s18 =	sld [smem:$0x3FFB];
	_ =	sdelay $0x3  }
0x92: {  	_ =	strace s18  }
0x93: {  	s3 =	sld [smem:$0x3FFC];
	_ =	sdelay $0x3  }
0x94: {  	_ =	strace s3  }
0x95: {  	s3 =	sld [smem:$0x3FFD];
	_ =	sdelay $0x3  }
0x96: {  	_ =	strace s3  }
0x97: {  	_ =	strace $0x8FFFFFFF  }
0x98: {  	s19 =	sld [smem:$0x3FDB];
	_ =	sdelay $0x1  }
0x99: {  	s4 =	simm.s32 $_scs_section_size  }
0x9a: {  	s5 =	simm.s32 $_size__tile_overlayer_lowered;
	s6 =	simm.s32 $_tile_overlayer_lowered  }
0x9b: {  	s22 =	simm.s32 $0x1BFF;
	s21 =	sshll.u32 s6, $0x1;
	s3 =	sadd.s32 s4, s19  }
0x9c: {  	s7 =	simm.s32 $0x0;
	s20 =	sshll.u32 s5, $0x1;
	s5 =	sadd.s32 s21, s3  }
0x9d: {  	[timem:s7], [sflag:s22] =	dma.local [hbm:s5], s20  }
0x9e: {  	_ =	swait.ge [sflag:s22], s20  }
0x9f: {  	s4 =	ssub.s32 $0x0, s20;
	[sflag:s22] =	ssyncset.done $0x0  }
0xa0: {  	[sflag:s22] =	ssyncadd.s32 s4;
	_ =	sdelay $0x1  }
0xa1: {  	s23 =	simm.s32 $0x1B8B  }
0xa2: {  	_ =	swait.ge [sflag:s23], $0x1  }
0xa3: {  	[sflag:s23] =	ssyncset.done $0x0  }
0xa4: {  	s25 =	simm.s32 $0x1B8E;
	s24 =	sld [smem:$0x3FFE];
	[sflag:s23] =	ssyncadd.s32 $0xFFFFFFFF  }
0xa5: {  	s26 =	simm.s32 $execute0_lowered;
	[smem:$0x3FD2] =	sst s25  }
0xa6: {  	s5 =	sshll.u32 s26, $0x1;
	_ =	strace $0x80000046;
	[dreg:$0x1] =	wrdreg $0xFFFFFFFF  }
0xa7: {  	s28 =	simm.s32 $_size_execute0_lowered;
	s3 =	sadd.s32 s3, s5;
	[dreg:$0x0] =	wrdreg $0x0  }
0xa8: {  	s5 =	sshll.u32 s28, $0x1;
	[dreg:$0x2] =	wrdreg s3  }
0xa9: {  	[dreg:$0x3] =	wrdreg s5  }
0xaa: {  	[dreg:$0x4] =	wrdreg $0xC0  }
0xab: {  	_ =	task [dreg:s7], $0x5FFFF  }
0xac: {  	[dreg:$0x1] =	wrdreg $0xFFFFFFFF  }
0xad: {  	[dreg:$0x0] =	wrdreg $0x60  }
0xae: {  	[dreg:$0x2] =	wrdreg s2  }
0xaf: {  	[dreg:$0x3] =	wrdreg s24  }
0xb0: {  	[dreg:$0x4] =	wrdreg $0x0  }
0xb1: {  	[dreg:$0x5] =	wrdreg $0x9  }
0xb2: {  	_ =	task.clear_ibuf [dreg:s7], $0x6FFFF;
	_ =	strace $0x90000046  }
0xb3: {  	s29 =	simm.s32 $0x9;
	_ =	strace $0x80000048  }
0xb4: {  	_ =	swait.ge [sflag:s29], $0x1  }
0xb5: {  	[sflag:s29] =	ssyncadd.s32 $0xFFFFFFFF  }
0xb6: {  	_ =	strace $0x90000048  }
0xb7: {  	_ =	sfence  }
0xb8: {  	s30 =	sld [smem:$0x0];
	_ =	sdelay $0x2  }
0xb9: {  	s31 =	sshll.u32 s1, $0xD;
	s1 =	sshrl.u32 s1, $0x2  }
0xba: {  	s3 =	sand.u32 $0x4000, s31;
	s1 =	sadd.s32 s1, s30  }
0xbb: {  	s0 =	sor.u32 s3, s0;
	s1 =	sshll.u32 s1, $0x11  }
0xbc: {  	s0 =	sor.u32 s1, s0  }
0xbd: {  	s0 =	sadd.s32 $0x8F2B, s0  }
0xbe: {  	[sflag:s0] =	ssyncadd.remote.s32 $0x1  }
0xbf: {  	_ =	sfence.sel $0xFFFF  }
0xc0: {  	[dreg:$0x0] =	wrdreg $0xFFFFFFFF;
	(pc) =	sbr.abs _section_cstart, $3  }
0xc1: {  	[dreg:$0x1] =	wrdreg $0xFFFFFFFF  }
0xc2: {  	_ =	task.clear_ibuf [dreg:s7], $0x2FFFF;
	_ =	strace $0x9FFFFFFF  }
0xc3: {  	(tm) =	ssettm $0x7FFFFFFF  }
tec
execute0_lowered:
.L_overlay_start_1:
0x0: {  	(tag) =	ssettag $0x1  }
0x1: {  	s1 =	rddreg [dreg:$0x0]  }
0x2: {  	s6 =	rddreg [dreg:$0x1]  }
0x3: {  	s2 =	rddreg [dreg:$0x2]  }
0x4: {  	s0 =	rddreg [dreg:$0x3]  }
0x5: {  	s3 =	simm.s32 $0x0;
	s9 =	srdreg.scid;
	s16 =	simm.s32 $0x2  }
0x6: {  	s17 =	simm.s32 $0x13880;
	s18 =	simm.s32 $0x16000;
	s19 =	simm.s32 $0x18780  }
0x7: {  	s20 =	simm.s32 $0x19780;
	s21 =	simm.s32 $0x50;
	s22 =	simm.s32 $0x1  }
0x8: {  	[smem:$0x7FF] =	sst s3;
	s4 =	sadd.s32 $0x1E00, s6;
	s5 =	sadd.s32 $0x1800, s6  }
0x9: {  	s7 =	sadd.s32 $0x2400, s6;
	s8 =	sadd.s32 $0x16400, s6;
	s9 =	sand.u32 $0x1, s9  }
0xa: {  	s13 =	sadd.s32 $0x2A400, s6;
	s6 =	stileid.u32;
	s23 =	sadd.s32 $0x12C000, s2  }
0xb: {  	_ =	strace $0x80000047;
	s10 =	ssub.s32 $0x2, s9;
	s14 =	smul.u32 $0x138800, s9  }
0xc: {  	s12 =	sshll.u32 s9, $0x4;
	s30 =	smul.u32 $0x14000, s6;
	p0 =	seq.s32 s6, $0xF  }
0xd: {  	s9 =	simm.s32 $0x5;
	s31 =	smul.u32 $0x50000, s6;
	s11 =	sshrl.u32 s10, $0x1  }
0xe: {  	s29 =	sor.u32 s6, s12;
	s9 =	simm.s32 @!p0 $0x8;
	s23 =	sshrl.u32 @p0 s23, $0x3  }
0xf: {  	s15 =	ssub.s32 s10, s11;
	s10 =	smul.u32 $0x5000, s29;
	s11 =	sadd.s32 s30, s14  }
0x10: {  	s12 =	sshrl.u32 s31, $0x2;
	s14 =	sshrl.u32 s14, $0x3;
	s11 =	sshrl.u32 s11, $0x3  }
0x11: {  	s12 =	sadd.s32 s12, s2;
	s11 =	sadd.s32 s13, s11;
	s13 =	sadd.s32 s13, s14  }
0x12: {  	v0 =	vimm.f32 $0.0e+00;
	s14 =	smax.u32 s15, $0x1;
	s15 =	simm.s32 $0x1A780;
	s13 =	sadd.s32 $0x25800, s13  }
.LBB2_1:
0x13: {  	s24 =	simm.s32 $0x0;
	s25 =	simm.s32 $0x200  }
.LBB2_2:
0x14: {  	p1 =	sne.s32 s25, $0x9E00;
	[tilespmem:s24+$0x1A7F0] =	vst v0  }
0x15: {  	[tilespmem:s24+$0x1A780] =	vst v0  }
0x16: {  	[tilespmem:s24+$0x1A790] =	vst v0  }
.Ltmp0:
0x17: {  	[tilespmem:s24+$0x1A7A0] =	vst v0;
	(pc) =	sbr.rel @p1 .LBB2_2-.Ltmp0, $4  }
0x18: {  	[tilespmem:s24+$0x1A7B0] =	vst v0  }
0x19: {  	[tilespmem:s24+$0x1A7C0] =	vst v0  }
0x1a: {  	[tilespmem:s24+$0x1A7D0] =	vst v0  }
0x1b: {  	[tilespmem:s24+$0x1A7E0] =	vst v0;
	s24 =	sshra.s32 s25, $0x2;
	s25 =	sadd.s32 $0x200, s25  }
0x1c: {  	[tilespmem:s24+$0x1A7F0] =	vst v0  }
0x1d: {  	[tilespmem:s24+$0x1A780] =	vst v0  }
0x1e: {  	[tilespmem:s24+$0x1A790] =	vst v0  }
0x1f: {  	[tilespmem:s24+$0x1A7A0] =	vst v0  }
0x20: {  	[tilespmem:s24+$0x1A7B0] =	vst v0  }
0x21: {  	[tilespmem:s24+$0x1A7C0] =	vst v0;
	p1 =	sne.s32 s9, $0x1  }
.Ltmp1:
0x22: {  	[tilespmem:s24+$0x1A7D0] =	vst v0;
	(pc) =	sbr.rel @!p1 .LBB2_5-.Ltmp1, $4  }
0x23: {  	[tilespmem:s24+$0x1A7E0] =	vst v0  }
0x24: {  	[spmem:s12] =	stream.linear.scatter [tilespmem:s15], [sflag:$0x2], $0x2800, $0x38;
	[tilespmem:$0x1CF80] =	vst v63  }
0x25: {  	_ =	swait.ge [sflag:s16], $0x2800  }
0x26: {  	s24 =	sadd.s32 $0xFFFFFFFF, s9;
	s25 =	smov.u32 s12;
	[sflag:s16] =	ssyncset.done $0x0  }
.LBB2_4:
0x27: {  	p1 =	sne.s32 s24, $0x1;
	[sflag:s16] =	ssyncadd.s32 $0xFFFFD800;
	s25 =	sadd.s32 $0x2800, s25  }
.Ltmp2:
0x28: {  	s24 =	sadd.s32 $0xFFFFFFFF, s24;
	(pc) =	sbr.rel @p1 .LBB2_4-.Ltmp2, $4  }
0x29: {  	_ = 	snop  }
0x2a: {  	[spmem:s25] =	stream.linear.scatter [tilespmem:s15], [sflag:$0x2], $0x2800, $0x38;
	[tilespmem:$0x1CF80] =	vst v63  }
0x2b: {  	_ =	swait.ge [sflag:s16], $0x2800  }
0x2c: {  	[sflag:s16] =	ssyncset.done $0x0  }
.LBB2_5:
0x2d: {  	[sflag:s16] =	ssyncadd.s32 $0xFFFFD800;
	s24 =	simm.s32 $0x0  }
0x2e: {  	[tilespmem:s17], [sflag:$0x2] =	stream.linear.gather [hbm4b:s4+s24], $0x2780, $0x38;
	[tilespmem:$0x1CF80] =	vst v63  }
0x2f: {  	_ =	swait.ge [sflag:s16], $0x2780  }
0x30: {  	[sflag:s16] =	ssyncset.done $0x0  }
0x31: {  	[sflag:s16] =	ssyncadd.s32 $0xFFFFD880  }
0x32: {  	[tilespmem:s18], [sflag:$0x2] =	stream.linear.gather [hbm4b:s5+s24], $0x2780, $0x38;
	[tilespmem:$0x1CF80] =	vst v63  }
0x33: {  	_ =	swait.ge [sflag:s16], $0x2780  }
0x34: {  	[sflag:s16] =	ssyncset.done $0x0  }
0x35: {  	[sflag:s16] =	ssyncadd.s32 $0xFFFFD880  }
0x36: {  	s25 =	simm.s32 $0x0;
	[bflag:$0x0] =	sbarrier.arrive $0xFFFF  }
.LBB2_6:
0x37: {  	s26 =	sshll.u32 s25, $0xC  }
0x38: {  	s26 =	sadd.s32 s10, s26  }
0x39: {  	s26 =	sshrl.u32 s26, $0x3  }
0x3a: {  	s28 =	sadd.s32 s7, s26  }
0x3b: {  	[tilespmem:s19], [sflag:$0x2] =	stream.linear.gather [hbm4b:s28+s24], $0xC80, $0x38;
	[tilespmem:$0x1CF80] =	vst v63  }
0x3c: {  	_ =	swait.ge [sflag:s16], $0xC80  }
0x3d: {  	[sflag:s16] =	ssyncset.done $0x0  }
0x3e: {  	s26 =	sadd.s32 s8, s26;
	[sflag:s16] =	ssyncadd.s32 $0xFFFFF380  }
0x3f: {  	[tilespmem:s20], [sflag:$0x2] =	stream.linear.gather [hbm4b:s26+s24], $0xC80, $0x38;
	[tilespmem:$0x1CF80] =	vst v63  }
0x40: {  	_ =	swait.ge [sflag:s16], $0xC80  }
0x41: {  	[sflag:s16] =	ssyncset.done $0x0  }
0x42: {  	s26 =	simm.s32 $0x0;
	[sflag:s16] =	ssyncadd.s32 $0xFFFFF380  }
.LBB2_7:
0x43: {  	s28 =	sshll.u32 s26, $0x7  }
0x44: {  	s29 =	sadd.s32 $0x18780, s28  }
0x45: {  	v1 =	vmov s28;
	[tilespmem:s15], [sflag:$0x1] =	stream.indirect.gather [hbm4b:s1+s21], $0x80, s29, s21, $0xb8;
	[tilespmem:$0x1CF80] =	vst v63  }
0x46: {  	_ =	swait.ge [sflag:s22], $0x2800  }
0x47: {  	[sflag:s22] =	ssyncset.done $0x0  }
0x48: {  	s29 =	simm.s32 $0x0;
	[sflag:s22] =	ssyncadd.s32 $0xFFFFD800  }
.LBB2_8:
0x49: {  	s30 =	sshll.u32 s29, $0x4  }
0x4a: {  	v2 =	vld.idx.msk [tilespmem:v1+s30+$0x18780 ss:$0x1], $0xffff  }
0x4b: {  	v3 =	vld.idx.msk [tilespmem:v1+s30+$0x19780 ss:$0x1], $0xffff;
	_ =	sdelay $0x6  }
0x4c: {  	v2 =	vld.idx.msk [tilespmem:v2+s17+$0x0], $0xffff  }
0x4d: {  	v3 =	vld.idx.msk [tilespmem:v3+s18+$0x0], $0xffff;
	_ =	sdelay $0x4  }
0x4e: {  	v2 =	vadd.f32 v3, v2;
	_ =	sdelay $0x1  }
0x4f: {  	v2 =	vsub.f32 $0.0e+00, v2;
	_ =	sdelay $0x1  }
0x50: {  	v2 =	vmul.f32 $1.442695020e+00, v2;
	_ =	sdelay $0x1  }
0x51: {  	(erf) = vpow2.f32 v2;
	_ =	sdelay $0x8  }
0x52: {  	v2 =	vpop (erf)  }
0x53: {  	v2 =	vadd.f32 $1.000000000e+00, v2;
	_ =	sdelay $0x1  }
0x54: {  	(erf) = vrcp.f32 v2;
	_ =	sdelay $0x4  }
0x55: {  	s31 =	sshll.u32 s29, $0xB  }
0x56: {  	s30 =	sand.u32 $0x3FFFF800, s31  }
0x57: {  	v3 =	vld [tilespmem:s30+$0x1A780]  }
0x58: {  	v4 =	vld [tilespmem:s30+$0x1A790]  }
0x59: {  	v5 =	vld [tilespmem:s30+$0x1A7A0];
	v2 =	vpop (erf)  }
0x5a: {  	v7 =	vld [tilespmem:s30+$0x1A7B0];
	v6 =	vbroadcast v2, $0x0  }
0x5b: {  	v8 =	vld [tilespmem:s30+$0x1A7C0]  }
0x5c: {  	v9 =	vld [tilespmem:s30+$0x1A7D0];
	v3 =	vmul.f32 v6, v3  }
0x5d: {  	v10 =	vld [tilespmem:s30+$0x1A7E0];
	v4 =	vmul.f32 v6, v4  }
0x5e: {  	v24 =	vld [tilespmem:s30+$0x1A7F0];
	[tilespmem:s30+$0x1A780] =	vst v3;
	v3 =	vmul.f32 v6, v5  }
0x5f: {  	v26 =	vld [tilespmem:s30+$0x1A800];
	v25 =	vmul.f32 v6, v7;
	[tilespmem:s30+$0x1A790] =	vst v4  }
0x60: {  	v27 =	vld [tilespmem:s30+$0x1A810];
	[tilespmem:s30+$0x1A7A0] =	vst v3;
	v3 =	vmul.f32 v8, v6  }
0x61: {  	v29 =	vld [tilespmem:s30+$0x1A820];
	v28 =	vmul.f32 v9, v6;
	[tilespmem:s30+$0x1A7B0] =	vst v25  }
0x62: {  	v11 =	vld [tilespmem:s30+$0x1A830];
	v30 =	vbroadcast v2, $0x1;
	[tilespmem:s30+$0x1A7C0] =	vst v3;
	v3 =	vmul.f32 v10, v6  }
0x63: {  	v32 =	vld [tilespmem:s30+$0x1A840];
	v31 =	vmul.f32 v24, v6;
	[tilespmem:s30+$0x1A7D0] =	vst v28  }
0x64: {  	v33 =	vld [tilespmem:s30+$0x1A850];
	[tilespmem:s30+$0x1A7E0] =	vst v3;
	v3 =	vmul.f32 v26, v30  }
0x65: {  	v35 =	vld [tilespmem:s30+$0x1A860];
	v34 =	vmul.f32 v27, v30;
	[tilespmem:s30+$0x1A7F0] =	vst v31  }
0x66: {  	v36 =	vld [tilespmem:s30+$0x1A870];
	[tilespmem:s30+$0x1A800] =	vst v3;
	v3 =	vmul.f32 v29, v30  }
0x67: {  	v38 =	vld [tilespmem:s30+$0x1A880];
	v37 =	vmul.f32 v11, v30;
	[tilespmem:s30+$0x1A810] =	vst v34  }
0x68: {  	v39 =	vld [tilespmem:s30+$0x1A890];
	[tilespmem:s30+$0x1A820] =	vst v3;
	v3 =	vmul.f32 v32, v30  }
0x69: {  	v41 =	vld [tilespmem:s30+$0x1A8A0];
	v40 =	vmul.f32 v33, v30;
	[tilespmem:s30+$0x1A830] =	vst v37  }
0x6a: {  	v43 =	vld [tilespmem:s30+$0x1A8B0];
	v42 =	vbroadcast v2, $0x2;
	[tilespmem:s30+$0x1A840] =	vst v3;
	v3 =	vmul.f32 v35, v30  }
0x6b: {  	v45 =	vld [tilespmem:s30+$0x1A8C0];
	v44 =	vmul.f32 v36, v30;
	[tilespmem:s30+$0x1A850] =	vst v40  }
0x6c: {  	v46 =	vld [tilespmem:s30+$0x1A8D0];
	[tilespmem:s30+$0x1A860] =	vst v3;
	v3 =	vmul.f32 v38, v42  }
0x6d: {  	v48 =	vld [tilespmem:s30+$0x1A8E0];
	v47 =	vmul.f32 v39, v42;
	[tilespmem:s30+$0x1A870] =	vst v44  }
0x6e: {  	v49 =	vld [tilespmem:s30+$0x1A8F0];
	[tilespmem:s30+$0x1A880] =	vst v3;
	v3 =	vmul.f32 v41, v42  }
0x6f: {  	v51 =	vld [tilespmem:s30+$0x1A900];
	v50 =	vmul.f32 v43, v42;
	[tilespmem:s30+$0x1A890] =	vst v47  }
0x70: {  	v52 =	vld [tilespmem:s30+$0x1A910];
	[tilespmem:s30+$0x1A8A0] =	vst v3;
	v3 =	vmul.f32 v45, v42  }
0x71: {  	v54 =	vld [tilespmem:s30+$0x1A920];
	v53 =	vmul.f32 v46, v42;
	[tilespmem:s30+$0x1A8B0] =	vst v50  }
0x72: {  	v56 =	vld [tilespmem:s30+$0x1A930];
	v55 =	vbroadcast v2, $0x3;
	[tilespmem:s30+$0x1A8C0] =	vst v3;
	v3 =	vmul.f32 v48, v42  }
0x73: {  	v58 =	vld [tilespmem:s30+$0x1A940];
	v57 =	vmul.f32 v49, v42;
	[tilespmem:s30+$0x1A8D0] =	vst v53  }
0x74: {  	v59 =	vld [tilespmem:s30+$0x1A950];
	[tilespmem:s30+$0x1A8E0] =	vst v3;
	v3 =	vmul.f32 v51, v55  }
0x75: {  	v61 =	vld [tilespmem:s30+$0x1A960];
	v60 =	vmul.f32 v52, v55;
	[tilespmem:s30+$0x1A8F0] =	vst v57  }
0x76: {  	v62 =	vld [tilespmem:s30+$0x1A970];
	[tilespmem:s30+$0x1A900] =	vst v3;
	v3 =	vmul.f32 v54, v55  }
0x77: {  	v12 =	vld [tilespmem:s30+$0x1A980];
	v63 =	vmul.f32 v56, v55;
	[tilespmem:s30+$0x1A910] =	vst v60  }
0x78: {  	v13 =	vld [tilespmem:s30+$0x1A990];
	[tilespmem:s30+$0x1A920] =	vst v3;
	v3 =	vmul.f32 v58, v55  }
0x79: {  	v15 =	vld [tilespmem:s30+$0x1A9A0];
	v14 =	vmul.f32 v59, v55;
	[tilespmem:s30+$0x1A930] =	vst v63  }
0x7a: {  	v17 =	vld [tilespmem:s30+$0x1A9B0];
	v16 =	vbroadcast v2, $0x4;
	[tilespmem:s30+$0x1A940] =	vst v3;
	v3 =	vmul.f32 v61, v55  }
0x7b: {  	v19 =	vld [tilespmem:s30+$0x1A9C0];
	v18 =	vmul.f32 v62, v55;
	[tilespmem:s30+$0x1A950] =	vst v14  }
0x7c: {  	v20 =	vld [tilespmem:s30+$0x1A9D0];
	[tilespmem:s30+$0x1A960] =	vst v3;
	v3 =	vmul.f32 v12, v16  }
0x7d: {  	v22 =	vld [tilespmem:s30+$0x1A9E0];
	v21 =	vmul.f32 v13, v16;
	[tilespmem:s30+$0x1A970] =	vst v18  }
0x7e: {  	v23 =	vld [tilespmem:s30+$0x1A9F0];
	[tilespmem:s30+$0x1A980] =	vst v3;
	v3 =	vmul.f32 v15, v16  }
0x7f: {  	v24 =	vmul.f32 v17, v16;
	[tilespmem:s30+$0x1A990] =	vst v21;
	v25 =	vld [tilespmem:s30+$0x1AA00]  }
0x80: {  	v33 =	vld [tilespmem:s30+$0x1AA50];
	[tilespmem:s30+$0x1A9A0] =	vst v3;
	v3 =	vmul.f32 v19, v16  }
0x81: {  	v27 =	vmul.f32 v20, v16;
	[tilespmem:s30+$0x1A9B0] =	vst v24;
	v28 =	vld [tilespmem:s30+$0x1AA20]  }
0x82: {  	v36 =	vld [tilespmem:s30+$0x1AA70];
	v29 =	vbroadcast v2, $0x5;
	[tilespmem:s30+$0x1A9C0] =	vst v3;
	v3 =	vmul.f32 v22, v16  }
0x83: {  	[tilespmem:s30+$0x1A9D0] =	vst v27;
	v31 =	vmul.f32 v23, v16;
	v32 =	vld [tilespmem:s30+$0x1AA40]  }
0x84: {  	v26 =	vld [tilespmem:s30+$0x1AA10];
	[tilespmem:s30+$0x1A9E0] =	vst v3;
	v3 =	vmul.f32 v25, v29  }
0x85: {  	[tilespmem:s30+$0x1A9F0] =	vst v31;
	v40 =	vmul.f32 v33, v29;
	v35 =	vld [tilespmem:s30+$0x1AA60]  }
0x86: {  	v30 =	vld [tilespmem:s30+$0x1AA30];
	[tilespmem:s30+$0x1AA00] =	vst v3;
	v3 =	vmul.f32 v28, v29  }
0x87: {  	v44 =	vmul.f32 v36, v29;
	[tilespmem:s30+$0x1AA50] =	vst v40;
	v38 =	vld [tilespmem:s30+$0x1AA80]  }
0x88: {  	v39 =	vld [tilespmem:s30+$0x1AA90];
	[tilespmem:s30+$0x1AA20] =	vst v3;
	v3 =	vmul.f32 v32, v29  }
0x89: {  	v34 =	vmul.f32 v26, v29;
	[tilespmem:s30+$0x1AA70] =	vst v44;
	v41 =	vld [tilespmem:s30+$0x1AAA0]  }
0x8a: {  	v43 =	vld [tilespmem:s30+$0x1AAB0];
	v42 =	vbroadcast v2, $0x6;
	[tilespmem:s30+$0x1AA40] =	vst v3;
	v3 =	vmul.f32 v35, v29  }
0x8b: {  	[tilespmem:s30+$0x1AA10] =	vst v34;
	v37 =	vmul.f32 v30, v29;
	v45 =	vld [tilespmem:s30+$0x1AAC0]  }
0x8c: {  	v46 =	vld [tilespmem:s30+$0x1AAD0];
	[tilespmem:s30+$0x1AA60] =	vst v3;
	v3 =	vmul.f32 v38, v42  }
0x8d: {  	[tilespmem:s30+$0x1AA30] =	vst v37;
	v48 =	vld [tilespmem:s30+$0x1AAE0];
	v47 =	vmul.f32 v39, v42  }
0x8e: {  	v49 =	vld [tilespmem:s30+$0x1AAF0];
	[tilespmem:s30+$0x1AA80] =	vst v3;
	v3 =	vmul.f32 v41, v42  }
0x8f: {  	v50 =	vmul.f32 v43, v42;
	v51 =	vld [tilespmem:s30+$0x1AB00];
	[tilespmem:s30+$0x1AA90] =	vst v47  }
0x90: {  	v52 =	vld [tilespmem:s30+$0x1AB10];
	[tilespmem:s30+$0x1AAA0] =	vst v3;
	v3 =	vmul.f32 v45, v42  }
0x91: {  	v53 =	vmul.f32 v46, v42;
	[tilespmem:s30+$0x1AAB0] =	vst v50;
	v54 =	vld [tilespmem:s30+$0x1AB20]  }
0x92: {  	v56 =	vld [tilespmem:s30+$0x1AB30];
	v55 =	vbroadcast v2, $0x7;
	[tilespmem:s30+$0x1AAC0] =	vst v3;
	v3 =	vmul.f32 v48, v42  }
0x93: {  	v57 =	vmul.f32 v49, v42;
	[tilespmem:s30+$0x1AAD0] =	vst v53;
	v58 =	vld [tilespmem:s30+$0x1AB40]  }
0x94: {  	v59 =	vld [tilespmem:s30+$0x1AB50];
	[tilespmem:s30+$0x1AAE0] =	vst v3;
	v3 =	vmul.f32 v51, v55  }
0x95: {  	[tilespmem:s30+$0x1AAF0] =	vst v57;
	v61 =	vld [tilespmem:s30+$0x1AB60];
	v60 =	vmul.f32 v52, v55  }
0x96: {  	v62 =	vld [tilespmem:s30+$0x1AB70];
	[tilespmem:s30+$0x1AB00] =	vst v3;
	v3 =	vmul.f32 v54, v55  }
0x97: {  	v63 =	vmul.f32 v56, v55;
	v12 =	vld [tilespmem:s30+$0x1AB80];
	[tilespmem:s30+$0x1AB10] =	vst v60  }
0x98: {  	v13 =	vld [tilespmem:s30+$0x1AB90];
	[tilespmem:s30+$0x1AB20] =	vst v3;
	v3 =	vmul.f32 v58, v55  }
0x99: {  	v14 =	vmul.f32 v59, v55;
	[tilespmem:s30+$0x1AB30] =	vst v63;
	v15 =	vld [tilespmem:s30+$0x1ABA0]  }
0x9a: {  	v17 =	vld [tilespmem:s30+$0x1ABB0];
	v16 =	vbroadcast v2, $0x8;
	[tilespmem:s30+$0x1AB40] =	vst v3;
	v3 =	vmul.f32 v61, v55  }
0x9b: {  	v18 =	vmul.f32 v62, v55;
	[tilespmem:s30+$0x1AB50] =	vst v14;
	v19 =	vld [tilespmem:s30+$0x1ABC0]  }
0x9c: {  	v20 =	vld [tilespmem:s30+$0x1ABD0];
	[tilespmem:s30+$0x1AB60] =	vst v3;
	v3 =	vmul.f32 v12, v16  }
0x9d: {  	[tilespmem:s30+$0x1AB70] =	vst v18;
	v22 =	vld [tilespmem:s30+$0x1ABE0];
	v21 =	vmul.f32 v13, v16  }
0x9e: {  	v23 =	vld [tilespmem:s30+$0x1ABF0];
	[tilespmem:s30+$0x1AB80] =	vst v3;
	v3 =	vmul.f32 v15, v16  }
0x9f: {  	v24 =	vmul.f32 v17, v16;
	v25 =	vld [tilespmem:s30+$0x1AC00];
	[tilespmem:s30+$0x1AB90] =	vst v21  }
0xa0: {  	v26 =	vld [tilespmem:s30+$0x1AC10];
	[tilespmem:s30+$0x1ABA0] =	vst v3;
	v3 =	vmul.f32 v19, v16  }
0xa1: {  	v27 =	vmul.f32 v20, v16;
	[tilespmem:s30+$0x1ABB0] =	vst v24;
	v28 =	vld [tilespmem:s30+$0x1AC20]  }
0xa2: {  	v30 =	vld [tilespmem:s30+$0x1AC30];
	v29 =	vbroadcast v2, $0x9;
	[tilespmem:s30+$0x1ABC0] =	vst v3;
	v3 =	vmul.f32 v22, v16  }
0xa3: {  	v31 =	vmul.f32 v23, v16;
	[tilespmem:s30+$0x1ABD0] =	vst v27;
	v32 =	vld [tilespmem:s30+$0x1AC40]  }
0xa4: {  	v33 =	vld [tilespmem:s30+$0x1AC50];
	[tilespmem:s30+$0x1ABE0] =	vst v3;
	v3 =	vmul.f32 v25, v29  }
0xa5: {  	[tilespmem:s30+$0x1ABF0] =	vst v31;
	v35 =	vld [tilespmem:s30+$0x1AC60];
	v34 =	vmul.f32 v26, v29  }
0xa6: {  	v36 =	vld [tilespmem:s30+$0x1AC70];
	[tilespmem:s30+$0x1AC00] =	vst v3;
	v3 =	vmul.f32 v28, v29  }
0xa7: {  	v37 =	vmul.f32 v30, v29;
	v38 =	vld [tilespmem:s30+$0x1AC80];
	[tilespmem:s30+$0x1AC10] =	vst v34  }
0xa8: {  	v39 =	vld [tilespmem:s30+$0x1AC90];
	[tilespmem:s30+$0x1AC20] =	vst v3;
	v3 =	vmul.f32 v32, v29  }
0xa9: {  	v40 =	vmul.f32 v33, v29;
	[tilespmem:s30+$0x1AC30] =	vst v37;
	v41 =	vld [tilespmem:s30+$0x1ACA0]  }
0xaa: {  	v43 =	vld [tilespmem:s30+$0x1ACB0];
	v42 =	vbroadcast v2, $0xA;
	[tilespmem:s30+$0x1AC40] =	vst v3;
	v3 =	vmul.f32 v35, v29  }
0xab: {  	v44 =	vmul.f32 v36, v29;
	[tilespmem:s30+$0x1AC50] =	vst v40;
	v45 =	vld [tilespmem:s30+$0x1ACC0]  }
0xac: {  	v46 =	vld [tilespmem:s30+$0x1ACD0];
	[tilespmem:s30+$0x1AC60] =	vst v3;
	v3 =	vmul.f32 v38, v42  }
0xad: {  	[tilespmem:s30+$0x1AC70] =	vst v44;
	v48 =	vld [tilespmem:s30+$0x1ACE0];
	v47 =	vmul.f32 v39, v42  }
0xae: {  	v49 =	vld [tilespmem:s30+$0x1ACF0];
	[tilespmem:s30+$0x1AC80] =	vst v3;
	v3 =	vmul.f32 v41, v42  }
0xaf: {  	v50 =	vmul.f32 v43, v42;
	v51 =	vld [tilespmem:s30+$0x1AD00];
	[tilespmem:s30+$0x1AC90] =	vst v47  }
0xb0: {  	v52 =	vld [tilespmem:s30+$0x1AD10];
	[tilespmem:s30+$0x1ACA0] =	vst v3;
	v3 =	vmul.f32 v45, v42  }
0xb1: {  	v53 =	vmul.f32 v46, v42;
	[tilespmem:s30+$0x1ACB0] =	vst v50;
	v54 =	vld [tilespmem:s30+$0x1AD20]  }
0xb2: {  	v56 =	vld [tilespmem:s30+$0x1AD30];
	v55 =	vbroadcast v2, $0xB;
	[tilespmem:s30+$0x1ACC0] =	vst v3;
	v3 =	vmul.f32 v48, v42  }
0xb3: {  	v57 =	vmul.f32 v49, v42;
	[tilespmem:s30+$0x1ACD0] =	vst v53;
	v58 =	vld [tilespmem:s30+$0x1AD40]  }
0xb4: {  	v59 =	vld [tilespmem:s30+$0x1AD50];
	[tilespmem:s30+$0x1ACE0] =	vst v3;
	v3 =	vmul.f32 v51, v55  }
0xb5: {  	[tilespmem:s30+$0x1ACF0] =	vst v57;
	v61 =	vld [tilespmem:s30+$0x1AD60];
	v60 =	vmul.f32 v52, v55  }
0xb6: {  	v62 =	vld [tilespmem:s30+$0x1AD70];
	[tilespmem:s30+$0x1AD00] =	vst v3;
	v3 =	vmul.f32 v54, v55  }
0xb7: {  	v63 =	vmul.f32 v56, v55;
	v12 =	vld [tilespmem:s30+$0x1AD80];
	[tilespmem:s30+$0x1AD10] =	vst v60  }
0xb8: {  	v13 =	vld [tilespmem:s30+$0x1AD90];
	[tilespmem:s30+$0x1AD20] =	vst v3;
	v3 =	vmul.f32 v58, v55  }
0xb9: {  	v14 =	vmul.f32 v59, v55;
	[tilespmem:s30+$0x1AD30] =	vst v63;
	v15 =	vld [tilespmem:s30+$0x1ADA0]  }
0xba: {  	v17 =	vld [tilespmem:s30+$0x1ADB0];
	v16 =	vbroadcast v2, $0xC;
	[tilespmem:s30+$0x1AD40] =	vst v3;
	v3 =	vmul.f32 v61, v55  }
0xbb: {  	v18 =	vmul.f32 v62, v55;
	[tilespmem:s30+$0x1AD50] =	vst v14;
	v19 =	vld [tilespmem:s30+$0x1ADC0]  }
0xbc: {  	v20 =	vld [tilespmem:s30+$0x1ADD0];
	[tilespmem:s30+$0x1AD60] =	vst v3;
	v3 =	vmul.f32 v12, v16  }
0xbd: {  	[tilespmem:s30+$0x1AD70] =	vst v18;
	v22 =	vld [tilespmem:s30+$0x1ADE0];
	v21 =	vmul.f32 v13, v16  }
0xbe: {  	v23 =	vld [tilespmem:s30+$0x1ADF0];
	[tilespmem:s30+$0x1AD80] =	vst v3;
	v3 =	vmul.f32 v15, v16  }
0xbf: {  	v24 =	vmul.f32 v17, v16;
	v25 =	vld [tilespmem:s30+$0x1AE00];
	[tilespmem:s30+$0x1AD90] =	vst v21  }
0xc0: {  	v26 =	vld [tilespmem:s30+$0x1AE10];
	[tilespmem:s30+$0x1ADA0] =	vst v3;
	v3 =	vmul.f32 v19, v16  }
0xc1: {  	v27 =	vmul.f32 v20, v16;
	[tilespmem:s30+$0x1ADB0] =	vst v24;
	v28 =	vld [tilespmem:s30+$0x1AE20]  }
0xc2: {  	v30 =	vld [tilespmem:s30+$0x1AE30];
	v29 =	vbroadcast v2, $0xD;
	[tilespmem:s30+$0x1ADC0] =	vst v3;
	v3 =	vmul.f32 v22, v16  }
0xc3: {  	v31 =	vmul.f32 v23, v16;
	[tilespmem:s30+$0x1ADD0] =	vst v27;
	v32 =	vld [tilespmem:s30+$0x1AE40]  }
0xc4: {  	v33 =	vld [tilespmem:s30+$0x1AE50];
	[tilespmem:s30+$0x1ADE0] =	vst v3;
	v3 =	vmul.f32 v25, v29  }
0xc5: {  	[tilespmem:s30+$0x1ADF0] =	vst v31;
	v35 =	vld [tilespmem:s30+$0x1AE60];
	v34 =	vmul.f32 v26, v29  }
0xc6: {  	v36 =	vld [tilespmem:s30+$0x1AE70];
	[tilespmem:s30+$0x1AE00] =	vst v3;
	v3 =	vmul.f32 v28, v29  }
0xc7: {  	v37 =	vmul.f32 v30, v29;
	v38 =	vld [tilespmem:s30+$0x1AE80];
	[tilespmem:s30+$0x1AE10] =	vst v34  }
0xc8: {  	v39 =	vld [tilespmem:s30+$0x1AE90];
	[tilespmem:s30+$0x1AE20] =	vst v3;
	v3 =	vmul.f32 v32, v29  }
0xc9: {  	v40 =	vmul.f32 v33, v29;
	[tilespmem:s30+$0x1AE30] =	vst v37;
	v41 =	vld [tilespmem:s30+$0x1AEA0]  }
0xca: {  	v43 =	vld [tilespmem:s30+$0x1AEB0];
	v42 =	vbroadcast v2, $0xE;
	[tilespmem:s30+$0x1AE40] =	vst v3;
	v3 =	vmul.f32 v35, v29  }
0xcb: {  	v44 =	vmul.f32 v36, v29;
	[tilespmem:s30+$0x1AE50] =	vst v40;
	v45 =	vld [tilespmem:s30+$0x1AEC0]  }
0xcc: {  	v46 =	vld [tilespmem:s30+$0x1AED0];
	[tilespmem:s30+$0x1AE60] =	vst v3;
	v3 =	vmul.f32 v38, v42  }
0xcd: {  	[tilespmem:s30+$0x1AE70] =	vst v44;
	v48 =	vld [tilespmem:s30+$0x1AEE0];
	v47 =	vmul.f32 v39, v42  }
0xce: {  	v49 =	vld [tilespmem:s30+$0x1AEF0];
	[tilespmem:s30+$0x1AE80] =	vst v3;
	v3 =	vmul.f32 v41, v42  }
0xcf: {  	v50 =	vmul.f32 v43, v42;
	v51 =	vld [tilespmem:s30+$0x1AF00];
	[tilespmem:s30+$0x1AE90] =	vst v47  }
0xd0: {  	v52 =	vld [tilespmem:s30+$0x1AF10];
	[tilespmem:s30+$0x1AEA0] =	vst v3;
	v3 =	vmul.f32 v45, v42  }
0xd1: {  	v53 =	vmul.f32 v46, v42;
	[tilespmem:s30+$0x1AEB0] =	vst v50;
	v54 =	vld [tilespmem:s30+$0x1AF20]  }
0xd2: {  	v2 =	vbroadcast v2, $0xF;
	v58 =	vld [tilespmem:s30+$0x1AF50];
	[tilespmem:s30+$0x1AEC0] =	vst v3;
	v3 =	vmul.f32 v48, v42  }
0xd3: {  	v57 =	vld [tilespmem:s30+$0x1AF40];
	v56 =	vmul.f32 v49, v42;
	[tilespmem:s30+$0x1AED0] =	vst v53  }
0xd4: {  	v55 =	vld [tilespmem:s30+$0x1AF30];
	[tilespmem:s30+$0x1AEE0] =	vst v3;
	v3 =	vmul.f32 v51, v2  }
0xd5: {  	v60 =	vld [tilespmem:s30+$0x1AF60];
	v59 =	vmul.f32 v52, v2;
	[tilespmem:s30+$0x1AEF0] =	vst v56  }
0xd6: {  	v61 =	vld [tilespmem:s30+$0x1AF70];
	[tilespmem:s30+$0x1AF00] =	vst v3;
	v3 =	vmul.f32 v54, v2  }
0xd7: {  	[tilespmem:s30+$0x1AF10] =	vst v59;
	v63 =	vmul.f32 v58, v2  }
0xd8: {  	p1 =	sne.s32 s29, $0x4;
	[tilespmem:s30+$0x1AF20] =	vst v3;
	v3 =	vmul.f32 v57, v2  }
.Ltmp3:
0xd9: {  	v62 =	vmul.f32 v55, v2;
	[tilespmem:s30+$0x1AF50] =	vst v63;
	(pc) =	sbr.rel @p1 .LBB2_8-.Ltmp3, $4  }
0xda: {  	[tilespmem:s30+$0x1AF40] =	vst v3;
	v3 =	vmul.f32 v60, v2  }
0xdb: {  	[tilespmem:s30+$0x1AF30] =	vst v62;
	v2 =	vmul.f32 v61, v2  }
0xdc: {  	[tilespmem:s30+$0x1AF60] =	vst v3  }
0xdd: {  	s29 =	sadd.s32 $0x1, s29;
	[tilespmem:s30+$0x1AF70] =	vst v2  }
0xde: {  	s26 =	sadd.s32 $0x1, s26  }
0xdf: {  	p1 =	sne.s32 s26, $0x19  }
.Ltmp4:
0xe0: {  	s28 =	sadd.s32 $0x19780, s28;
	(pc) =	sbr.rel @p1 .LBB2_7-.Ltmp4, $4  }
0xe1: {  	[spmem:s2] =	stream.indirect.scatter.add.f32 [tilespmem:s15], [sflag:$0x2], $0x80, s28, s21, $0xb8;
	[tilespmem:$0x1CF80] =	vst v63  }
0xe2: {  	_ =	swait.ge [sflag:s16], $0x2800  }
0xe3: {  	[sflag:s16] =	ssyncset.done $0x0  }
0xe4: {  	[sflag:s16] =	ssyncadd.s32 $0xFFFFD800  }
0xe5: {  	s25 =	sadd.s32 $0x1, s25  }
0xe6: {  	p1 =	sne.s32 s25, $0x5  }
.Ltmp5:
0xe7: {  	_ = 	snop;
	(pc) =	sbr.rel @p1 .LBB2_6-.Ltmp5, $1  }
0xe8: {  	_ =	sdelay $0x3  }
0xe9: {  	[bflag:$0x0] =	sbarrier.arrive $0xFFFF;
	s24 =	simm.s32 @p0 $0x1FC2  }
0xea: {  	[hbm:s13], [sflag:s24] =	dma.local @p0 [spmem:s23], $0x1900  }
0xeb: {  	s24 =	simm.s32 @p0 $0x2  }
0xec: {  	s3 =	sadd.s32 $0x1, s3;
	_ =	swait.ge @p0 [sflag:s24], $0x1900  }
0xed: {  	s25 =	sshll.u32 @!p0 s6, $0x6;
	p1 =	sne.s32 s3, s14;
	[sflag:s24] =	ssyncset.done @p0 $0x0  }
0xee: {  	[sflag:s24] =	ssyncadd.s32 @p0 $0xFFFFE700;
	s24 =	sor.u32 @!p0 $0x1C02, s25;
	s25 =	sshrl.u32 @!p0 s12, $0x3  }
0xef: {  	[hbm:s11], [sflag:s24] =	dma.local @!p0 [spmem:s25], $0x2800  }
.Ltmp6:
0xf0: {  	_ = 	snop;
	(pc) =	sbr.rel @p1 .LBB2_1-.Ltmp6, $4  }
0xf1: {  	s24 =	simm.s32 @!p0 $0x2  }
0xf2: {  	_ =	swait.ge @!p0 [sflag:s24], $0x2800  }
0xf3: {  	[sflag:s24] =	ssyncset.done @!p0 $0x0  }
0xf4: {  	[sflag:s24] =	ssyncadd.s32 @!p0 $0xFFFFD800  }
0xf5: {  	_ =	sfence.sel $0x180000  }
0xf6: {  	[bflag:$0x0] =	sbarrier.arrive $0xFFFF  }
0xf7: {  	p0 =	sne.s32 s6, $0x0;
	_ =	strace $0x90000047  }
0xf8: {  	s0 =	sadd.s32 @!p0 $0x100000, s0;
	[bflag:$0x2] =	sbarrier.arrive $0xFFFF  }
0xf9: {  	[sflag:s0] =	ssyncadd.tile.s32 @!p0 $0x1;
	_ =	shalt  }
.Lfunc_end2:
_tile_overlayer_lowered:
.L_overlay_start_2:
0xfa: {  	(tag) =	ssettag $0x2  }
0xfb: {  	s0 =	rddreg [dreg:$0x0];
	s2 =	stileid.u32  }
0xfc: {  	s1 =	rddreg [dreg:$0x1];
	p0 =	sne.s32 s2, $0x0  }
0xfd: {  	s3 =	rddreg [dreg:$0x2];
	[bflag:$0x3] =	sbarrier.arrive $0xFFFF;
	s2 =	simm.s32 @!p0 $0x1C02  }
0xfe: {  	[timem:s3], [sflag:s2] =	dma.local @!p0 [hbm:s0], s1  }
0xff: {  	s0 =	simm.s32 @!p0 $0x2  }
0x100: {  	_ =	swait.ge @!p0 [sflag:s0], s1  }
0x101: {  	s1 =	ssub.s32 @!p0 $0x0, s1;
	[sflag:s0] =	ssyncset.done @!p0 $0x0  }
0x102: {  	[sflag:s0] =	ssyncadd.s32 @!p0 s1  }
0x103: {  	[bflag:$0x3] =	sbarrier.arrive $0xFFFF  }
0x104: {  	_ =	shalt  }

</sc_bundles>
